<compile_context>
chip_gen: v7x
topology: tpu7x:2x2x1
jax: 0.10.2.dev20260603
libtpu: 0.0.44.dev20260713+nightly
codegen_flags: <defaults>
</compile_context>

<pallas_src>
import functools

import jax
import jax.numpy as jnp
from jax import lax
from jax.experimental import pallas as pl
from jax.experimental.pallas import tpu as pltpu
from jax.experimental.pallas import tpu_sc as plsc

NC = 2
NS = 16
C = 128
G = 2
SU = C * G
DH = 32
ZR = 136


def _layer_body(n_pad, scpt, emb_hbm, idx_hbm, w_hbm, out_hbm,
                ebuf0, ebuf1, wbuf0, wbuf1, rows0, rows1, acc,
                e_sem0, e_sem1, g_sem0, g_sem1, s_sem):
    c = lax.axis_index("c")
    s = lax.axis_index("s")
    rows_per_tile = n_pad // NS
    ebuf = (ebuf0, ebuf1)
    wbuf = (wbuf0, wbuf1)
    rows = (rows0, rows1)
    e_sem = (e_sem0, e_sem1)
    g_sem = (g_sem0, g_sem1)
    total = scpt

    def zfill(r, carry):
        rows0[r, 0:16] = jnp.zeros((16,), jnp.float32)
        rows0[r, 16:32] = jnp.zeros((16,), jnp.float32)
        return carry
    lax.fori_loop(0, ZR, zfill, 0)
    def zdma(k, carry):
        pltpu.sync_copy(rows0.at[pl.ds(0, ZR)],
                        acc.at[pl.ds(s * rows_per_tile + k * ZR, ZR)])
        return carry
    lax.fori_loop(0, rows_per_tile // ZR, zdma, 0)
    plsc.subcore_barrier()

    emb_c = emb_hbm.at[c]

    def issue_edge_dma(t, p):
        pltpu.async_copy(idx_hbm.at[t], ebuf[p], e_sem[p])
        pltpu.async_copy(w_hbm.at[t], wbuf[p], e_sem[p])

    def wait_edge_dma(t, p):
        pltpu.make_async_copy(idx_hbm.at[t], ebuf[p], e_sem[p]).wait()
        pltpu.make_async_copy(w_hbm.at[t], wbuf[p], e_sem[p]).wait()

    def issue_gathers(p):
        for g in range(G):
            pltpu.async_copy(emb_c.at[ebuf[p].at[g]],
                             rows[p].at[pl.ds(g * C, C)], g_sem[p])

    def wait_gathers(p):
        for g in range(G):
            pltpu.make_async_copy(emb_c.at[ebuf[p].at[g]],
                                  rows[p].at[pl.ds(g * C, C)],
                                  g_sem[p]).wait()

    base_t = s * scpt
    issue_edge_dma(base_t, 0)
    issue_edge_dma(base_t + 1, 1)
    wait_edge_dma(base_t, 0)
    issue_gathers(0)

    def pair(i, carry):
        for p in (0, 1):
            q = 1 - p
            sc = 2 * i + p
            @pl.when(sc < total - 1)
            def _():
                wait_edge_dma(base_t + sc + 1, q)
                issue_gathers(q)
            wait_gathers(p)

            def scale(j, carry2):
                wv = wbuf[p][pl.ds(j * 16, 16)]
                for k in range(16):
                    e = j * 16 + k
                    rows[p][e, 0:16] = rows[p][e, 0:16] * wv[k]
                    rows[p][e, 16:32] = rows[p][e, 16:32] * wv[k]
                return carry2
            lax.fori_loop(0, SU // 16, scale, 0)

            descs = []
            for g in range(G):
                descs.append(pltpu.async_copy(
                    rows[p].at[pl.ds(g * C, C)],
                    acc.at[ebuf[p].at[G + g]], s_sem, add=True))
            for d in descs:
                d.wait()

            @pl.when(sc < total - 2)
            def _():
                issue_edge_dma(base_t + sc + 2, p)
        return carry
    lax.fori_loop(0, total // 2, pair, 0)
    plsc.subcore_barrier()

    pltpu.sync_copy(acc.at[pl.ds(s * rows_per_tile, rows_per_tile)],
                    out_hbm.at[c].at[pl.ds(s * rows_per_tile, rows_per_tile)])


@functools.partial(jax.jit, static_argnums=(3, 4))
def _layer(emb2, idx_packed, w_packed, n_pad, scpt):
    mesh = plsc.VectorSubcoreMesh(core_axis_name="c", subcore_axis_name="s")
    body = functools.partial(_layer_body, n_pad, scpt)
    return pl.kernel(
        body,
        out_type=jax.ShapeDtypeStruct((NC, n_pad, DH), jnp.float32),
        mesh=mesh,
        compiler_params=pltpu.CompilerParams(use_tc_tiling_on_sc=False),
        scratch_types=[
            pltpu.VMEM((2 * G, C), jnp.int32),
            pltpu.VMEM((2 * G, C), jnp.int32),
            pltpu.VMEM((SU,), jnp.float32),
            pltpu.VMEM((SU,), jnp.float32),
            pltpu.VMEM((SU, DH), jnp.float32),
            pltpu.VMEM((SU, DH), jnp.float32),
            pltpu.VMEM_SHARED((n_pad, DH), jnp.float32),
            pltpu.SemaphoreType.DMA,
            pltpu.SemaphoreType.DMA,
            pltpu.SemaphoreType.DMA,
            pltpu.SemaphoreType.DMA,
            pltpu.SemaphoreType.DMA,
        ],
    )(emb2, idx_packed, w_packed)


def kernel(user_emb, item_emb, edge_weight, edge_index):
    n_users = user_emb.shape[0]
    n_nodes = n_users + item_emb.shape[0]
    e = edge_weight.shape[0]

    blk_n = NS * ZR
    n_pad = ((n_nodes + blk_n - 1) // blk_n) * blk_n

    all_emb = jnp.concatenate([user_emb, item_emb], axis=0)
    emb2 = all_emb.reshape(n_nodes, NC, DH).transpose(1, 0, 2)
    emb2 = jnp.pad(emb2, ((0, 0), (0, n_pad - n_nodes), (0, 0)))

    blk_e = NS * SU * 2
    e_pad = ((e + blk_e - 1) // blk_e) * blk_e
    src = edge_index[0]
    dst = edge_index[1]
    w = edge_weight
    if e_pad != e:
        pad = e_pad - e
        src = jnp.concatenate([src, jnp.zeros((pad,), src.dtype)])
        dst = jnp.concatenate([dst, jnp.zeros((pad,), dst.dtype)])
        w = jnp.concatenate([w, jnp.zeros((pad,), w.dtype)])
    n_super = e_pad // SU
    scpt = n_super // NS
    src3 = src.reshape(n_super, G, C)
    dst3 = dst.reshape(n_super, G, C)
    idx_packed = jnp.concatenate([src3, dst3], axis=1)
    w_packed = w.reshape(n_super, SU)

    acc_sum = emb2
    cur = emb2
    for _ in range(3):
        cur = _layer(cur, idx_packed, w_packed, n_pad, scpt)
        acc_sum = acc_sum + cur

    final = (acc_sum * 0.25).transpose(1, 0, 2).reshape(n_pad, NC * DH)
    return (final[:n_users], final[n_users:n_nodes])

# --- scband reference (transcript-rebuilt; emitter-appended) ---
"""Pipeline reference for scband-light-gcn-79534204387833 (READ-ONLY COPY).

The authoritative reference and input builder live on the scoring server;
editing this copy changes nothing except your own understanding.
"""

import jax, jax.numpy as jnp
import numpy as np

NUM_USERS = 25000
NUM_ITEMS = 25000
N = NUM_USERS + NUM_ITEMS
E = 800000
D = 64
N_LAYERS = 3


def setup_inputs(seed: int = 0) -> dict:
    key = jax.random.key(seed)
    k1, k2, k3, k4 = jax.random.split(key, 4)
    user_emb = jax.random.normal(k1, (NUM_USERS, D), dtype=jnp.float32) * 0.1
    item_emb = jax.random.normal(k2, (NUM_ITEMS, D), dtype=jnp.float32) * 0.1
    edge_weight = jax.random.uniform(k3, (E,), dtype=jnp.float32)
    edge_index = jax.random.randint(k4, (2, E), 0, N, dtype=jnp.int64 if jax.config.jax_enable_x64 else jnp.int32)
    return {
        "user_emb": user_emb,
        "item_emb": item_emb,
        "edge_weight": edge_weight,
        "edge_index": edge_index,
    }


def reference(user_emb, item_emb, edge_weight, edge_index):
    # LightGCN forward (no side features): propagate concatenated
    # user/item embeddings through n_layers of normalized sparse matmul,
    # then average over layer outputs.
    src = edge_index[0]
    dst = edge_index[1]
    all_emb = jnp.concatenate([user_emb, item_emb], axis=0)
    embs = [all_emb]
    for _ in range(N_LAYERS):
        # torch.sparse.mm(graph, all_emb): out[dst] += w * all_emb[src]
        msgs = all_emb[src] * edge_weight[:, None]
        all_emb = jax.ops.segment_sum(msgs, dst, num_segments=N)
        embs.append(all_emb)
    stacked = jnp.stack(embs, axis=1)
    final_embs = jnp.mean(stacked, axis=1)
    users = final_embs[:NUM_USERS]
    items = final_embs[NUM_USERS:]
    return (users, items)

if __name__ == "__main__":
    import jax
    _d = setup_inputs()
    print(jax.jit(kernel)(*tuple(_d.values())))

</pallas_src>

<mosaic_0001>
#map = affine_map<(d0, d1) -> (0, 0, 0)>
#map1 = affine_map<(d0, d1) -> (0, 0)>
module attributes {stable_mosaic.version = 14 : i64} {
  func.func @_layer_body(%arg0: i32, %arg1: i32, %arg2: memref<2x50048x32xf32, #tpu.memory_space<hbm>>, %arg3: memref<3136x4x128xi32, #tpu.memory_space<hbm>>, %arg4: memref<3136x256xf32, #tpu.memory_space<hbm>>, %arg5: memref<2x50048x32xf32, #tpu.memory_space<hbm>>, %arg6: memref<4x128xi32, #tpu.memory_space<vmem>>, %arg7: memref<4x128xi32, #tpu.memory_space<vmem>>, %arg8: memref<256xf32, #tpu.memory_space<vmem>>, %arg9: memref<256xf32, #tpu.memory_space<vmem>>, %arg10: memref<256x32xf32, #tpu.memory_space<vmem>>, %arg11: memref<256x32xf32, #tpu.memory_space<vmem>>, %arg12: memref<50048x32xf32, #tpu.memory_space<vmem_shared>>, %arg13: memref<!tpu.dma_semaphore, #tpu.memory_space<semaphore_mem>>, %arg14: memref<!tpu.dma_semaphore, #tpu.memory_space<semaphore_mem>>, %arg15: memref<!tpu.dma_semaphore, #tpu.memory_space<semaphore_mem>>, %arg16: memref<!tpu.dma_semaphore, #tpu.memory_space<semaphore_mem>>, %arg17: memref<!tpu.dma_semaphore, #tpu.memory_space<semaphore_mem>>) attributes {dimension_semantics = [#tpu.dimension_semantics<core_parallel>, #tpu.dimension_semantics<subcore_parallel>], iteration_bounds = array<i64: 2, 16>, scalar_prefetch = 0 : i64, scratch_operands = 12 : i64, tpu.core_type = #tpu.core_type<sc_vector_subcore>, window_params = [{transform_indices = #map}, {transform_indices = #map}, {transform_indices = #map1}, {transform_indices = #map}]} {
    %scan3A = arith.constant 0 : i32
    %scan3A_0 = arith.constant 0 : i32
    %scan3A_1 = arith.constant 136 : i32
    %scan3A_2 = arith.addi %scan3A_0, %scan3A_1 : i32
    %scan3A_3 = arith.constant 1 : i32
    scf.for %scan3A_92 = %scan3A_0 to %scan3A_2 step %scan3A_3  : i32 {
      %broadcast_in_dim3A = arith.constant 0.000000e+00 : f32
      %broadcast_in_dim3A_93 = vector.broadcast %broadcast_in_dim3A : f32 to vector<16xf32>
      %swap3A = arith.index_cast %scan3A_92 : i32 to index
      %swap3A_94 = arith.constant 0 : index
      %swap3A_95 = tpu.vector_load %arg10[%swap3A, %swap3A_94] {strides = array<i32>} : memref<256x32xf32, #tpu.memory_space<vmem>>, vector<1x16xf32>,
      %swap3A_96 = vector.shape_cast %swap3A_95 : vector<1x16xf32> to vector<16xf32>
      %swap3A_97 = vector.shape_cast %broadcast_in_dim3A_93 : vector<16xf32> to vector<1x16xf32>
      tpu.vector_store %arg10[%swap3A, %swap3A_94], %swap3A_97 {strides = array<i32>} : memref<256x32xf32, #tpu.memory_space<vmem>>, vector<1x16xf32>,
      %broadcast_in_dim3A_98 = arith.constant 0.000000e+00 : f32
      %broadcast_in_dim3A_99 = vector.broadcast %broadcast_in_dim3A_98 : f32 to vector<16xf32>
      %swap3A_100 = arith.index_cast %scan3A_92 : i32 to index
      %swap3A_101 = arith.constant 16 : index
      %swap3A_102 = tpu.vector_load %arg10[%swap3A_100, %swap3A_101] {strides = array<i32>} : memref<256x32xf32, #tpu.memory_space<vmem>>, vector<1x16xf32>,
      %swap3A_103 = vector.shape_cast %swap3A_102 : vector<1x16xf32> to vector<16xf32>
      %swap3A_104 = vector.shape_cast %broadcast_in_dim3A_99 : vector<16xf32> to vector<1x16xf32>
      tpu.vector_store %arg10[%swap3A_100, %swap3A_101], %swap3A_104 {strides = array<i32>} : memref<256x32xf32, #tpu.memory_space<vmem>>, vector<1x16xf32>,
    }
    %scan3A_4 = arith.constant 136 : i32
    %scan3A_5 = arith.constant 0 : i32
    %scan3A_6 = arith.constant 0 : i32
    %scan3A_7 = arith.constant 23 : i32
    %scan3A_8 = arith.addi %scan3A_6, %scan3A_7 : i32
    %scan3A_9 = arith.constant 1 : i32
    scf.for %scan3A_92 = %scan3A_6 to %scan3A_8 step %scan3A_9  : i32 {
      %mul3A_93 = arith.constant 3128 : i32
      %mul3A_94 = arith.muli %arg1, %mul3A_93 : i32
      %mul3A_95 = arith.constant 136 : i32
      %mul3A_96 = arith.muli %scan3A_92, %mul3A_95 : i32
      %add3A_97 = arith.addi %mul3A_94, %mul3A_96 : i32
      "tpu.region"() ({
        %run_scoped3A = tpu.sem_alloc : memref<!tpu.dma_semaphore, #tpu.memory_space<semaphore_mem>>
        %dma_start3A_98 = arith.constant 0 : i32
        %dma_start3A_99 = arith.constant 0 : i32
        %dma_start3A_100 = tpu.memref_slice %arg10[%dma_start3A_98, %dma_start3A_99] : memref<256x32xf32, #tpu.memory_space<vmem>> -> memref<136x32xf32, #tpu.memory_space<vmem>>
        %dma_start3A_101 = arith.constant 0 : i32
        %dma_start3A_102 = tpu.memref_slice %arg12[%add3A_97, %dma_start3A_101] : memref<50048x32xf32, #tpu.memory_space<vmem_shared>> -> memref<136x32xf32, #tpu.memory_space<vmem_shared>>
        %dma_start3A_103 = arith.constant 0 : i32
        %dma_start3A_104 = tpu.memref_slice %arg12[%add3A_97, %dma_start3A_103] : memref<50048x32xf32, #tpu.memory_space<vmem_shared>> -> memref<136x32xf32, #tpu.memory_space<vmem_shared>>
        %dma_start3A_105 = arith.constant 0 : i32
        %dma_start3A_106 = arith.constant 0 : i32
        %dma_start3A_107 = tpu.memref_slice %arg10[%dma_start3A_105, %dma_start3A_106] : memref<256x32xf32, #tpu.memory_space<vmem>> -> memref<136x32xf32, #tpu.memory_space<vmem>>
        tpu.enqueue_dma source(%dma_start3A_107 : memref<136x32xf32, #tpu.memory_space<vmem>>) target(%dma_start3A_104 : memref<136x32xf32, #tpu.memory_space<vmem_shared>>) target_semaphore(%run_scoped3A : memref<!tpu.dma_semaphore, #tpu.memory_space<semaphore_mem>>)
        %dma_wait3A_108 = arith.constant 0 : i32
        %dma_wait3A_109 = arith.constant 0 : i32
        %dma_wait3A_110 = tpu.memref_slice %arg10[%dma_wait3A_108, %dma_wait3A_109] : memref<256x32xf32, #tpu.memory_space<vmem>> -> memref<136x32xf32, #tpu.memory_space<vmem>>
        %dma_wait3A_111 = arith.constant 0 : i32
        %dma_wait3A_112 = tpu.memref_slice %arg12[%add3A_97, %dma_wait3A_111] : memref<50048x32xf32, #tpu.memory_space<vmem_shared>> -> memref<136x32xf32, #tpu.memory_space<vmem_shared>>
        %dma_wait3A_113 = arith.constant 0 : i32
        %dma_wait3A_114 = tpu.memref_slice %arg12[%add3A_97, %dma_wait3A_113] : memref<50048x32xf32, #tpu.memory_space<vmem_shared>> -> memref<136x32xf32, #tpu.memory_space<vmem_shared>>
        %dma_wait3A_115 = arith.constant 0 : i32
        %dma_wait3A_116 = arith.constant 0 : i32
        %dma_wait3A_117 = tpu.memref_slice %arg10[%dma_wait3A_115, %dma_wait3A_116] : memref<256x32xf32, #tpu.memory_space<vmem>> -> memref<136x32xf32, #tpu.memory_space<vmem>>
        tpu.wait_dma2 semaphore(%run_scoped3A : memref<!tpu.dma_semaphore, #tpu.memory_space<semaphore_mem>>) src(%dma_wait3A_117 : memref<136x32xf32, #tpu.memory_space<vmem>>) dst(%dma_wait3A_114 : memref<136x32xf32, #tpu.memory_space<vmem_shared>>)
        tpu.yield
      }) : () -> ()
    }
    %scan3A_10 = arith.constant 23 : i32
    %barrier3A = arith.constant 0 : index
    tpu.barrier barrier_id(%barrier3A)
    %mul3A = arith.constant 196 : i32
    %mul3A_11 = arith.muli %arg1, %mul3A : i32
    %dma_start3A = arith.constant 0 : i32
    %dma_start3A_12 = arith.constant 0 : i32
    %dma_start3A_13 = tpu.memref_slice %arg3[%mul3A_11, %dma_start3A, %dma_start3A_12] : memref<3136x4x128xi32, #tpu.memory_space<hbm>> -> memref<1x4x128xi32, #tpu.memory_space<hbm>>
    %dma_start3A_14 = tpu.memref_squeeze %dma_start3A_13 : memref<1x4x128xi32, #tpu.memory_space<hbm>> -> memref<4x128xi32, #tpu.memory_space<hbm>>
    %dma_start3A_15 = arith.constant 0 : i32
    %dma_start3A_16 = arith.constant 0 : i32
    %dma_start3A_17 = tpu.memref_slice %arg3[%mul3A_11, %dma_start3A_15, %dma_start3A_16] : memref<3136x4x128xi32, #tpu.memory_space<hbm>> -> memref<1x4x128xi32, #tpu.memory_space<hbm>>
    %dma_start3A_18 = tpu.memref_squeeze %dma_start3A_17 : memref<1x4x128xi32, #tpu.memory_space<hbm>> -> memref<4x128xi32, #tpu.memory_space<hbm>>
    tpu.enqueue_dma source(%dma_start3A_18 : memref<4x128xi32, #tpu.memory_space<hbm>>) target(%arg6 : memref<4x128xi32, #tpu.memory_space<vmem>>) target_semaphore(%arg13 : memref<!tpu.dma_semaphore, #tpu.memory_space<semaphore_mem>>)
    %dma_start3A_19 = arith.constant 0 : i32
    %dma_start3A_20 = tpu.memref_slice %arg4[%mul3A_11, %dma_start3A_19] : memref<3136x256xf32, #tpu.memory_space<hbm>> -> memref<1x256xf32, #tpu.memory_space<hbm>>
    %dma_start3A_21 = tpu.memref_squeeze %dma_start3A_20 : memref<1x256xf32, #tpu.memory_space<hbm>> -> memref<256xf32, #tpu.memory_space<hbm>>
    %dma_start3A_22 = arith.constant 0 : i32
    %dma_start3A_23 = tpu.memref_slice %arg4[%mul3A_11, %dma_start3A_22] : memref<3136x256xf32, #tpu.memory_space<hbm>> -> memref<1x256xf32, #tpu.memory_space<hbm>>
    %dma_start3A_24 = tpu.memref_squeeze %dma_start3A_23 : memref<1x256xf32, #tpu.memory_space<hbm>> -> memref<256xf32, #tpu.memory_space<hbm>>
    tpu.enqueue_dma source(%dma_start3A_24 : memref<256xf32, #tpu.memory_space<hbm>>) target(%arg8 : memref<256xf32, #tpu.memory_space<vmem>>) target_semaphore(%arg13 : memref<!tpu.dma_semaphore, #tpu.memory_space<semaphore_mem>>)
    %add3A = arith.constant 1 : i32
    %add3A_25 = arith.addi %mul3A_11, %add3A : i32
    %dma_start3A_26 = arith.constant 0 : i32
    %dma_start3A_27 = arith.constant 0 : i32
    %dma_start3A_28 = tpu.memref_slice %arg3[%add3A_25, %dma_start3A_26, %dma_start3A_27] : memref<3136x4x128xi32, #tpu.memory_space<hbm>> -> memref<1x4x128xi32, #tpu.memory_space<hbm>>
    %dma_start3A_29 = tpu.memref_squeeze %dma_start3A_28 : memref<1x4x128xi32, #tpu.memory_space<hbm>> -> memref<4x128xi32, #tpu.memory_space<hbm>>
    %dma_start3A_30 = arith.constant 0 : i32
    %dma_start3A_31 = arith.constant 0 : i32
    %dma_start3A_32 = tpu.memref_slice %arg3[%add3A_25, %dma_start3A_30, %dma_start3A_31] : memref<3136x4x128xi32, #tpu.memory_space<hbm>> -> memref<1x4x128xi32, #tpu.memory_space<hbm>>
    %dma_start3A_33 = tpu.memref_squeeze %dma_start3A_32 : memref<1x4x128xi32, #tpu.memory_space<hbm>> -> memref<4x128xi32, #tpu.memory_space<hbm>>
    tpu.enqueue_dma source(%dma_start3A_33 : memref<4x128xi32, #tpu.memory_space<hbm>>) target(%arg7 : memref<4x128xi32, #tpu.memory_space<vmem>>) target_semaphore(%arg14 : memref<!tpu.dma_semaphore, #tpu.memory_space<semaphore_mem>>)
    %dma_start3A_34 = arith.constant 0 : i32
    %dma_start3A_35 = tpu.memref_slice %arg4[%add3A_25, %dma_start3A_34] : memref<3136x256xf32, #tpu.memory_space<hbm>> -> memref<1x256xf32, #tpu.memory_space<hbm>>
    %dma_start3A_36 = tpu.memref_squeeze %dma_start3A_35 : memref<1x256xf32, #tpu.memory_space<hbm>> -> memref<256xf32, #tpu.memory_space<hbm>>
    %dma_start3A_37 = arith.constant 0 : i32
    %dma_start3A_38 = tpu.memref_slice %arg4[%add3A_25, %dma_start3A_37] : memref<3136x256xf32, #tpu.memory_space<hbm>> -> memref<1x256xf32, #tpu.memory_space<hbm>>
    %dma_start3A_39 = tpu.memref_squeeze %dma_start3A_38 : memref<1x256xf32, #tpu.memory_space<hbm>> -> memref<256xf32, #tpu.memory_space<hbm>>
    tpu.enqueue_dma source(%dma_start3A_39 : memref<256xf32, #tpu.memory_space<hbm>>) target(%arg9 : memref<256xf32, #tpu.memory_space<vmem>>) target_semaphore(%arg14 : memref<!tpu.dma_semaphore, #tpu.memory_space<semaphore_mem>>)
    %dma_wait3A = arith.constant 0 : i32
    %dma_wait3A_40 = arith.constant 0 : i32
    %dma_wait3A_41 = tpu.memref_slice %arg3[%mul3A_11, %dma_wait3A, %dma_wait3A_40] : memref<3136x4x128xi32, #tpu.memory_space<hbm>> -> memref<1x4x128xi32, #tpu.memory_space<hbm>>
    %dma_wait3A_42 = tpu.memref_squeeze %dma_wait3A_41 : memref<1x4x128xi32, #tpu.memory_space<hbm>> -> memref<4x128xi32, #tpu.memory_space<hbm>>
    %dma_wait3A_43 = arith.constant 0 : i32
    %dma_wait3A_44 = arith.constant 0 : i32
    %dma_wait3A_45 = tpu.memref_slice %arg3[%mul3A_11, %dma_wait3A_43, %dma_wait3A_44] : memref<3136x4x128xi32, #tpu.memory_space<hbm>> -> memref<1x4x128xi32, #tpu.memory_space<hbm>>
    %dma_wait3A_46 = tpu.memref_squeeze %dma_wait3A_45 : memref<1x4x128xi32, #tpu.memory_space<hbm>> -> memref<4x128xi32, #tpu.memory_space<hbm>>
    tpu.wait_dma2 semaphore(%arg13 : memref<!tpu.dma_semaphore, #tpu.memory_space<semaphore_mem>>) src(%dma_wait3A_46 : memref<4x128xi32, #tpu.memory_space<hbm>>) dst(%arg6 : memref<4x128xi32, #tpu.memory_space<vmem>>)
    %dma_wait3A_47 = arith.constant 0 : i32
    %dma_wait3A_48 = tpu.memref_slice %arg4[%mul3A_11, %dma_wait3A_47] : memref<3136x256xf32, #tpu.memory_space<hbm>> -> memref<1x256xf32, #tpu.memory_space<hbm>>
    %dma_wait3A_49 = tpu.memref_squeeze %dma_wait3A_48 : memref<1x256xf32, #tpu.memory_space<hbm>> -> memref<256xf32, #tpu.memory_space<hbm>>
    %dma_wait3A_50 = arith.constant 0 : i32
    %dma_wait3A_51 = tpu.memref_slice %arg4[%mul3A_11, %dma_wait3A_50] : memref<3136x256xf32, #tpu.memory_space<hbm>> -> memref<1x256xf32, #tpu.memory_space<hbm>>
    %dma_wait3A_52 = tpu.memref_squeeze %dma_wait3A_51 : memref<1x256xf32, #tpu.memory_space<hbm>> -> memref<256xf32, #tpu.memory_space<hbm>>
    tpu.wait_dma2 semaphore(%arg13 : memref<!tpu.dma_semaphore, #tpu.memory_space<semaphore_mem>>) src(%dma_wait3A_52 : memref<256xf32, #tpu.memory_space<hbm>>) dst(%arg8 : memref<256xf32, #tpu.memory_space<vmem>>)
    %dma_start3A_53 = arith.constant 0 : i32
    %dma_start3A_54 = arith.constant 0 : i32
    %dma_start3A_55 = arith.constant 0 : i32
    %dma_start3A_56 = tpu.memref_slice %arg10[%dma_start3A_54, %dma_start3A_55] : memref<256x32xf32, #tpu.memory_space<vmem>> -> memref<128x32xf32, #tpu.memory_space<vmem>>
    %dma_start3A_57 = arith.constant 0 : i32
    %dma_start3A_58 = tpu.memref_slice %arg6[%dma_start3A_53, %dma_start3A_57] : memref<4x128xi32, #tpu.memory_space<vmem>> -> memref<1x128xi32, #tpu.memory_space<vmem>>
    %dma_start3A_59 = tpu.memref_squeeze %dma_start3A_58 : memref<1x128xi32, #tpu.memory_space<vmem>> -> memref<128xi32, #tpu.memory_space<vmem>>
    %dma_start3A_60 = arith.constant 0 : i32
    %dma_start3A_61 = arith.constant 0 : i32
    %dma_start3A_62 = tpu.memref_slice %arg2[%arg0, %dma_start3A_60, %dma_start3A_61] : memref<2x50048x32xf32, #tpu.memory_space<hbm>> -> memref<1x50048x32xf32, #tpu.memory_space<hbm>>
    %dma_start3A_63 = tpu.memref_squeeze %dma_start3A_62 : memref<1x50048x32xf32, #tpu.memory_space<hbm>> -> memref<50048x32xf32, #tpu.memory_space<hbm>>
    %dma_start3A_64 = arith.constant 0 : i32
    %dma_start3A_65 = arith.constant 0 : i32
    %dma_start3A_66 = tpu.memref_slice %dma_start3A_63[%dma_start3A_64, %dma_start3A_65] : memref<50048x32xf32, #tpu.memory_space<hbm>> -> memref<50048x32xf32, #tpu.memory_space<hbm>>
    tpu.enqueue_indirect_dma source(%dma_start3A_66 : memref<50048x32xf32, #tpu.memory_space<hbm>>) target(%dma_start3A_56 : memref<128x32xf32, #tpu.memory_space<vmem>>) offsets(%dma_start3A_59 : memref<128xi32, #tpu.memory_space<vmem>>) semaphore(%arg15 : memref<!tpu.dma_semaphore, #tpu.memory_space<semaphore_mem>>)
    %dma_start3A_67 = arith.constant 1 : i32
    %dma_start3A_68 = arith.constant 128 : i32
    %dma_start3A_69 = arith.constant 0 : i32
    %dma_start3A_70 = tpu.memref_slice %arg10[%dma_start3A_68, %dma_start3A_69] : memref<256x32xf32, #tpu.memory_space<vmem>> -> memref<128x32xf32, #tpu.memory_space<vmem>>
    %dma_start3A_71 = arith.constant 0 : i32
    %dma_start3A_72 = tpu.memref_slice %arg6[%dma_start3A_67, %dma_start3A_71] : memref<4x128xi32, #tpu.memory_space<vmem>> -> memref<1x128xi32, #tpu.memory_space<vmem>>
    %dma_start3A_73 = tpu.memref_squeeze %dma_start3A_72 : memref<1x128xi32, #tpu.memory_space<vmem>> -> memref<128xi32, #tpu.memory_space<vmem>>
    %dma_start3A_74 = arith.constant 0 : i32
    %dma_start3A_75 = arith.constant 0 : i32
    %dma_start3A_76 = tpu.memref_slice %arg2[%arg0, %dma_start3A_74, %dma_start3A_75] : memref<2x50048x32xf32, #tpu.memory_space<hbm>> -> memref<1x50048x32xf32, #tpu.memory_space<hbm>>
    %dma_start3A_77 = tpu.memref_squeeze %dma_start3A_76 : memref<1x50048x32xf32, #tpu.memory_space<hbm>> -> memref<50048x32xf32, #tpu.memory_space<hbm>>
    %dma_start3A_78 = arith.constant 0 : i32
    %dma_start3A_79 = arith.constant 0 : i32
    %dma_start3A_80 = tpu.memref_slice %dma_start3A_77[%dma_start3A_78, %dma_start3A_79] : memref<50048x32xf32, #tpu.memory_space<hbm>> -> memref<50048x32xf32, #tpu.memory_space<hbm>>
    tpu.enqueue_indirect_dma source(%dma_start3A_80 : memref<50048x32xf32, #tpu.memory_space<hbm>>) target(%dma_start3A_70 : memref<128x32xf32, #tpu.memory_space<vmem>>) offsets(%dma_start3A_73 : memref<128xi32, #tpu.memory_space<vmem>>) semaphore(%arg15 : memref<!tpu.dma_semaphore, #tpu.memory_space<semaphore_mem>>)
    %scan3A_81 = arith.constant 0 : i32
    %scan3A_82 = arith.constant 0 : i32
    %scan3A_83 = arith.constant 98 : i32
    %scan3A_84 = arith.addi %scan3A_82, %scan3A_83 : i32
    %scan3A_85 = arith.constant 1 : i32
    scf.for %scan3A_92 = %scan3A_82 to %scan3A_84 step %scan3A_85  : i32 {
      %mul3A_93 = arith.constant 2 : i32
      %mul3A_94 = arith.muli %mul3A_93, %scan3A_92 : i32
      %add3A_95 = arith.constant 0 : i32
      %add3A_96 = arith.addi %mul3A_94, %add3A_95 : i32
      %lt3A = arith.constant 195 : i32
      %lt3A_97 = arith.cmpi slt, %add3A_96, %lt3A : i32
      %convert_element_type3A = arith.extui %lt3A_97 : i1 to i32
      %cond3A = arith.constant 0 : i32
      %cond3A_98 = arith.cmpi ne, %convert_element_type3A, %cond3A : i32
      scf.if %cond3A_98 {
        %add3A_266 = arith.addi %mul3A_11, %add3A_96 : i32
        %add3A_267 = arith.constant 1 : i32
        %add3A_268 = arith.addi %add3A_266, %add3A_267 : i32
        %dma_wait3A_269 = arith.constant 0 : i32
        %dma_wait3A_270 = arith.constant 0 : i32
        %dma_wait3A_271 = tpu.memref_slice %arg3[%add3A_268, %dma_wait3A_269, %dma_wait3A_270] : memref<3136x4x128xi32, #tpu.memory_space<hbm>> -> memref<1x4x128xi32, #tpu.memory_space<hbm>>
        %dma_wait3A_272 = tpu.memref_squeeze %dma_wait3A_271 : memref<1x4x128xi32, #tpu.memory_space<hbm>> -> memref<4x128xi32, #tpu.memory_space<hbm>>
        %dma_wait3A_273 = arith.constant 0 : i32
        %dma_wait3A_274 = arith.constant 0 : i32
        %dma_wait3A_275 = tpu.memref_slice %arg3[%add3A_268, %dma_wait3A_273, %dma_wait3A_274] : memref<3136x4x128xi32, #tpu.memory_space<hbm>> -> memref<1x4x128xi32, #tpu.memory_space<hbm>>
        %dma_wait3A_276 = tpu.memref_squeeze %dma_wait3A_275 : memref<1x4x128xi32, #tpu.memory_space<hbm>> -> memref<4x128xi32, #tpu.memory_space<hbm>>
        tpu.wait_dma2 semaphore(%arg14 : memref<!tpu.dma_semaphore, #tpu.memory_space<semaphore_mem>>) src(%dma_wait3A_276 : memref<4x128xi32, #tpu.memory_space<hbm>>) dst(%arg7 : memref<4x128xi32, #tpu.memory_space<vmem>>)
        %dma_wait3A_277 = arith.constant 0 : i32
        %dma_wait3A_278 = tpu.memref_slice %arg4[%add3A_268, %dma_wait3A_277] : memref<3136x256xf32, #tpu.memory_space<hbm>> -> memref<1x256xf32, #tpu.memory_space<hbm>>
        %dma_wait3A_279 = tpu.memref_squeeze %dma_wait3A_278 : memref<1x256xf32, #tpu.memory_space<hbm>> -> memref<256xf32, #tpu.memory_space<hbm>>
        %dma_wait3A_280 = arith.constant 0 : i32
        %dma_wait3A_281 = tpu.memref_slice %arg4[%add3A_268, %dma_wait3A_280] : memref<3136x256xf32, #tpu.memory_space<hbm>> -> memref<1x256xf32, #tpu.memory_space<hbm>>
        %dma_wait3A_282 = tpu.memref_squeeze %dma_wait3A_281 : memref<1x256xf32, #tpu.memory_space<hbm>> -> memref<256xf32, #tpu.memory_space<hbm>>
        tpu.wait_dma2 semaphore(%arg14 : memref<!tpu.dma_semaphore, #tpu.memory_space<semaphore_mem>>) src(%dma_wait3A_282 : memref<256xf32, #tpu.memory_space<hbm>>) dst(%arg9 : memref<256xf32, #tpu.memory_space<vmem>>)
        %dma_start3A_283 = arith.constant 0 : i32
        %dma_start3A_284 = arith.constant 0 : i32
        %dma_start3A_285 = arith.constant 0 : i32
        %dma_start3A_286 = tpu.memref_slice %arg11[%dma_start3A_284, %dma_start3A_285] : memref<256x32xf32, #tpu.memory_space<vmem>> -> memref<128x32xf32, #tpu.memory_space<vmem>>
        %dma_start3A_287 = arith.constant 0 : i32
        %dma_start3A_288 = tpu.memref_slice %arg7[%dma_start3A_283, %dma_start3A_287] : memref<4x128xi32, #tpu.memory_space<vmem>> -> memref<1x128xi32, #tpu.memory_space<vmem>>
        %dma_start3A_289 = tpu.memref_squeeze %dma_start3A_288 : memref<1x128xi32, #tpu.memory_space<vmem>> -> memref<128xi32, #tpu.memory_space<vmem>>
        %dma_start3A_290 = arith.constant 0 : i32
        %dma_start3A_291 = arith.constant 0 : i32
        %dma_start3A_292 = tpu.memref_slice %arg2[%arg0, %dma_start3A_290, %dma_start3A_291] : memref<2x50048x32xf32, #tpu.memory_space<hbm>> -> memref<1x50048x32xf32, #tpu.memory_space<hbm>>
        %dma_start3A_293 = tpu.memref_squeeze %dma_start3A_292 : memref<1x50048x32xf32, #tpu.memory_space<hbm>> -> memref<50048x32xf32, #tpu.memory_space<hbm>>
        %dma_start3A_294 = arith.constant 0 : i32
        %dma_start3A_295 = arith.constant 0 : i32
        %dma_start3A_296 = tpu.memref_slice %dma_start3A_293[%dma_start3A_294, %dma_start3A_295] : memref<50048x32xf32, #tpu.memory_space<hbm>> -> memref<50048x32xf32, #tpu.memory_space<hbm>>
        tpu.enqueue_indirect_dma source(%dma_start3A_296 : memref<50048x32xf32, #tpu.memory_space<hbm>>) target(%dma_start3A_286 : memref<128x32xf32, #tpu.memory_space<vmem>>) offsets(%dma_start3A_289 : memref<128xi32, #tpu.memory_space<vmem>>) semaphore(%arg16 : memref<!tpu.dma_semaphore, #tpu.memory_space<semaphore_mem>>)
        %dma_start3A_297 = arith.constant 1 : i32
        %dma_start3A_298 = arith.constant 128 : i32
        %dma_start3A_299 = arith.constant 0 : i32
        %dma_start3A_300 = tpu.memref_slice %arg11[%dma_start3A_298, %dma_start3A_299] : memref<256x32xf32, #tpu.memory_space<vmem>> -> memref<128x32xf32, #tpu.memory_space<vmem>>
        %dma_start3A_301 = arith.constant 0 : i32
        %dma_start3A_302 = tpu.memref_slice %arg7[%dma_start3A_297, %dma_start3A_301] : memref<4x128xi32, #tpu.memory_space<vmem>> -> memref<1x128xi32, #tpu.memory_space<vmem>>
        %dma_start3A_303 = tpu.memref_squeeze %dma_start3A_302 : memref<1x128xi32, #tpu.memory_space<vmem>> -> memref<128xi32, #tpu.memory_space<vmem>>
        %dma_start3A_304 = arith.constant 0 : i32
        %dma_start3A_305 = arith.constant 0 : i32
        %dma_start3A_306 = tpu.memref_slice %arg2[%arg0, %dma_start3A_304, %dma_start3A_305] : memref<2x50048x32xf32, #tpu.memory_space<hbm>> -> memref<1x50048x32xf32, #tpu.memory_space<hbm>>
        %dma_start3A_307 = tpu.memref_squeeze %dma_start3A_306 : memref<1x50048x32xf32, #tpu.memory_space<hbm>> -> memref<50048x32xf32, #tpu.memory_space<hbm>>
        %dma_start3A_308 = arith.constant 0 : i32
        %dma_start3A_309 = arith.constant 0 : i32
        %dma_start3A_310 = tpu.memref_slice %dma_start3A_307[%dma_start3A_308, %dma_start3A_309] : memref<50048x32xf32, #tpu.memory_space<hbm>> -> memref<50048x32xf32, #tpu.memory_space<hbm>>
        tpu.enqueue_indirect_dma source(%dma_start3A_310 : memref<50048x32xf32, #tpu.memory_space<hbm>>) target(%dma_start3A_300 : memref<128x32xf32, #tpu.memory_space<vmem>>) offsets(%dma_start3A_303 : memref<128xi32, #tpu.memory_space<vmem>>) semaphore(%arg16 : memref<!tpu.dma_semaphore, #tpu.memory_space<semaphore_mem>>)
      } else {
      }
      %dma_wait3A_99 = arith.constant 0 : i32
      %dma_wait3A_100 = arith.constant 0 : i32
      %dma_wait3A_101 = arith.constant 0 : i32
      %dma_wait3A_102 = tpu.memref_slice %arg10[%dma_wait3A_100, %dma_wait3A_101] : memref<256x32xf32, #tpu.memory_space<vmem>> -> memref<128x32xf32, #tpu.memory_space<vmem>>
      %dma_wait3A_103 = arith.constant 0 : i32
      %dma_wait3A_104 = tpu.memref_slice %arg6[%dma_wait3A_99, %dma_wait3A_103] : memref<4x128xi32, #tpu.memory_space<vmem>> -> memref<1x128xi32, #tpu.memory_space<vmem>>
      %dma_wait3A_105 = tpu.memref_squeeze %dma_wait3A_104 : memref<1x128xi32, #tpu.memory_space<vmem>> -> memref<128xi32, #tpu.memory_space<vmem>>
      %dma_wait3A_106 = arith.constant 0 : i32
      %dma_wait3A_107 = arith.constant 0 : i32
      %dma_wait3A_108 = tpu.memref_slice %arg2[%arg0, %dma_wait3A_106, %dma_wait3A_107] : memref<2x50048x32xf32, #tpu.memory_space<hbm>> -> memref<1x50048x32xf32, #tpu.memory_space<hbm>>
      %dma_wait3A_109 = tpu.memref_squeeze %dma_wait3A_108 : memref<1x50048x32xf32, #tpu.memory_space<hbm>> -> memref<50048x32xf32, #tpu.memory_space<hbm>>
      %dma_wait3A_110 = arith.constant 0 : i32
      %dma_wait3A_111 = arith.constant 0 : i32
      %dma_wait3A_112 = tpu.memref_slice %dma_wait3A_109[%dma_wait3A_110, %dma_wait3A_111] : memref<50048x32xf32, #tpu.memory_space<hbm>> -> memref<50048x32xf32, #tpu.memory_space<hbm>>
      tpu.wait_indirect_dma semaphore(%arg15 : memref<!tpu.dma_semaphore, #tpu.memory_space<semaphore_mem>>) src(%dma_wait3A_112 : memref<50048x32xf32, #tpu.memory_space<hbm>>) dst(%dma_wait3A_102 : memref<128x32xf32, #tpu.memory_space<vmem>>)
      %dma_wait3A_113 = arith.constant 1 : i32
      %dma_wait3A_114 = arith.constant 128 : i32
      %dma_wait3A_115 = arith.constant 0 : i32
      %dma_wait3A_116 = tpu.memref_slice %arg10[%dma_wait3A_114, %dma_wait3A_115] : memref<256x32xf32, #tpu.memory_space<vmem>> -> memref<128x32xf32, #tpu.memory_space<vmem>>
      %dma_wait3A_117 = arith.constant 0 : i32
      %dma_wait3A_118 = tpu.memref_slice %arg6[%dma_wait3A_113, %dma_wait3A_117] : memref<4x128xi32, #tpu.memory_space<vmem>> -> memref<1x128xi32, #tpu.memory_space<vmem>>
      %dma_wait3A_119 = tpu.memref_squeeze %dma_wait3A_118 : memref<1x128xi32, #tpu.memory_space<vmem>> -> memref<128xi32, #tpu.memory_space<vmem>>
      %dma_wait3A_120 = arith.constant 0 : i32
      %dma_wait3A_121 = arith.constant 0 : i32
      %dma_wait3A_122 = tpu.memref_slice %arg2[%arg0, %dma_wait3A_120, %dma_wait3A_121] : memref<2x50048x32xf32, #tpu.memory_space<hbm>> -> memref<1x50048x32xf32, #tpu.memory_space<hbm>>
      %dma_wait3A_123 = tpu.memref_squeeze %dma_wait3A_122 : memref<1x50048x32xf32, #tpu.memory_space<hbm>> -> memref<50048x32xf32, #tpu.memory_space<hbm>>
      %dma_wait3A_124 = arith.constant 0 : i32
      %dma_wait3A_125 = arith.constant 0 : i32
      %dma_wait3A_126 = tpu.memref_slice %dma_wait3A_123[%dma_wait3A_124, %dma_wait3A_125] : memref<50048x32xf32, #tpu.memory_space<hbm>> -> memref<50048x32xf32, #tpu.memory_space<hbm>>
      tpu.wait_indirect_dma semaphore(%arg15 : memref<!tpu.dma_semaphore, #tpu.memory_space<semaphore_mem>>) src(%dma_wait3A_126 : memref<50048x32xf32, #tpu.memory_space<hbm>>) dst(%dma_wait3A_116 : memref<128x32xf32, #tpu.memory_space<vmem>>)
      %scan3A_127 = arith.constant 0 : i32
      %scan3A_128 = arith.constant 0 : i32
      %scan3A_129 = arith.constant 16 : i32
      %scan3A_130 = arith.addi %scan3A_128, %scan3A_129 : i32
      %scan3A_131 = arith.constant 1 : i32
      scf.for %scan3A_266 = %scan3A_128 to %scan3A_130 step %scan3A_131  : i32 {
        %mul3A_267 = arith.constant 16 : i32
        %mul3A_268 = arith.muli %scan3A_266, %mul3A_267 : i32
        %get3A = arith.index_cast %mul3A_268 : i32 to index
        %get3A_269 = tpu.vector_load %arg8[%get3A] {strides = array<i32>} : memref<256xf32, #tpu.memory_space<vmem>>, vector<16xf32>,
        %get3A_270 = vector.shape_cast %get3A_269 : vector<16xf32> to vector<16xf32>
        %mul3A_271 = arith.constant 16 : i32
        %mul3A_272 = arith.muli %scan3A_266, %mul3A_271 : i32
        %add3A_273 = arith.constant 0 : i32
        %add3A_274 = arith.addi %mul3A_272, %add3A_273 : i32
        %get3A_275 = arith.index_cast %add3A_274 : i32 to index
        %get3A_276 = arith.constant 0 : index
        %get3A_277 = tpu.vector_load %arg10[%get3A_275, %get3A_276] {strides = array<i32>} : memref<256x32xf32, #tpu.memory_space<vmem>>, vector<1x16xf32>,
        %get3A_278 = vector.shape_cast %get3A_277 : vector<1x16xf32> to vector<16xf32>
        %slice3A = vector.extract_strided_slice %get3A_270 {offsets = [0], sizes = [1], strides = [1]} : vector<16xf32> to vector<1xf32>
        %squeeze3A = vector.extract %slice3A[0] : f32 from vector<1xf32>
        %mul3A_279 = vector.broadcast %squeeze3A : f32 to vector<16xf32>
        %mul3A_280 = arith.mulf %get3A_278, %mul3A_279 : vector<16xf32>
        %swap3A = arith.index_cast %add3A_274 : i32 to index
        %swap3A_281 = arith.constant 0 : index
        %swap3A_282 = tpu.vector_load %arg10[%swap3A, %swap3A_281] {strides = array<i32>} : memref<256x32xf32, #tpu.memory_space<vmem>>, vector<1x16xf32>,
        %swap3A_283 = vector.shape_cast %swap3A_282 : vector<1x16xf32> to vector<16xf32>
        %swap3A_284 = vector.shape_cast %mul3A_280 : vector<16xf32> to vector<1x16xf32>
        tpu.vector_store %arg10[%swap3A, %swap3A_281], %swap3A_284 {strides = array<i32>} : memref<256x32xf32, #tpu.memory_space<vmem>>, vector<1x16xf32>,
        %get3A_285 = arith.index_cast %add3A_274 : i32 to index
        %get3A_286 = arith.constant 16 : index
        %get3A_287 = tpu.vector_load %arg10[%get3A_285, %get3A_286] {strides = array<i32>} : memref<256x32xf32, #tpu.memory_space<vmem>>, vector<1x16xf32>,
        %get3A_288 = vector.shape_cast %get3A_287 : vector<1x16xf32> to vector<16xf32>
        %slice3A_289 = vector.extract_strided_slice %get3A_270 {offsets = [0], sizes = [1], strides = [1]} : vector<16xf32> to vector<1xf32>
        %squeeze3A_290 = vector.extract %slice3A_289[0] : f32 from vector<1xf32>
        %mul3A_291 = vector.broadcast %squeeze3A_290 : f32 to vector<16xf32>
        %mul3A_292 = arith.mulf %get3A_288, %mul3A_291 : vector<16xf32>
        %swap3A_293 = arith.index_cast %add3A_274 : i32 to index
        %swap3A_294 = arith.constant 16 : index
        %swap3A_295 = tpu.vector_load %arg10[%swap3A_293, %swap3A_294] {strides = array<i32>} : memref<256x32xf32, #tpu.memory_space<vmem>>, vector<1x16xf32>,
        %swap3A_296 = vector.shape_cast %swap3A_295 : vector<1x16xf32> to vector<16xf32>
        %swap3A_297 = vector.shape_cast %mul3A_292 : vector<16xf32> to vector<1x16xf32>
        tpu.vector_store %arg10[%swap3A_293, %swap3A_294], %swap3A_297 {strides = array<i32>} : memref<256x32xf32, #tpu.memory_space<vmem>>, vector<1x16xf32>,
        %mul3A_298 = arith.constant 16 : i32
        %mul3A_299 = arith.muli %scan3A_266, %mul3A_298 : i32
        %add3A_300 = arith.constant 1 : i32
        %add3A_301 = arith.addi %mul3A_299, %add3A_300 : i32
        %get3A_302 = arith.index_cast %add3A_301 : i32 to index
        %get3A_303 = arith.constant 0 : index
        %get3A_304 = tpu.vector_load %arg10[%get3A_302, %get3A_303] {strides = array<i32>} : memref<256x32xf32, #tpu.memory_space<vmem>>, vector<1x16xf32>,
        %get3A_305 = vector.shape_cast %get3A_304 : vector<1x16xf32> to vector<16xf32>
        %slice3A_306 = vector.extract_strided_slice %get3A_270 {offsets = [1], sizes = [1], strides = [1]} : vector<16xf32> to vector<1xf32>
        %squeeze3A_307 = vector.extract %slice3A_306[0] : f32 from vector<1xf32>
        %mul3A_308 = vector.broadcast %squeeze3A_307 : f32 to vector<16xf32>
        %mul3A_309 = arith.mulf %get3A_305, %mul3A_308 : vector<16xf32>
        %swap3A_310 = arith.index_cast %add3A_301 : i32 to index
        %swap3A_311 = arith.constant 0 : index
        %swap3A_312 = tpu.vector_load %arg10[%swap3A_310, %swap3A_311] {strides = array<i32>} : memref<256x32xf32, #tpu.memory_space<vmem>>, vector<1x16xf32>,
        %swap3A_313 = vector.shape_cast %swap3A_312 : vector<1x16xf32> to vector<16xf32>
        %swap3A_314 = vector.shape_cast %mul3A_309 : vector<16xf32> to vector<1x16xf32>
        tpu.vector_store %arg10[%swap3A_310, %swap3A_311], %swap3A_314 {strides = array<i32>} : memref<256x32xf32, #tpu.memory_space<vmem>>, vector<1x16xf32>,
        %get3A_315 = arith.index_cast %add3A_301 : i32 to index
        %get3A_316 = arith.constant 16 : index
        %get3A_317 = tpu.vector_load %arg10[%get3A_315, %get3A_316] {strides = array<i32>} : memref<256x32xf32, #tpu.memory_space<vmem>>, vector<1x16xf32>,
        %get3A_318 = vector.shape_cast %get3A_317 : vector<1x16xf32> to vector<16xf32>
        %slice3A_319 = vector.extract_strided_slice %get3A_270 {offsets = [1], sizes = [1], strides = [1]} : vector<16xf32> to vector<1xf32>
        %squeeze3A_320 = vector.extract %slice3A_319[0] : f32 from vector<1xf32>
        %mul3A_321 = vector.broadcast %squeeze3A_320 : f32 to vector<16xf32>
        %mul3A_322 = arith.mulf %get3A_318, %mul3A_321 : vector<16xf32>
        %swap3A_323 = arith.index_cast %add3A_301 : i32 to index
        %swap3A_324 = arith.constant 16 : index
        %swap3A_325 = tpu.vector_load %arg10[%swap3A_323, %swap3A_324] {strides = array<i32>} : memref<256x32xf32, #tpu.memory_space<vmem>>, vector<1x16xf32>,
        %swap3A_326 = vector.shape_cast %swap3A_325 : vector<1x16xf32> to vector<16xf32>
        %swap3A_327 = vector.shape_cast %mul3A_322 : vector<16xf32> to vector<1x16xf32>
        tpu.vector_store %arg10[%swap3A_323, %swap3A_324], %swap3A_327 {strides = array<i32>} : memref<256x32xf32, #tpu.memory_space<vmem>>, vector<1x16xf32>,
        %mul3A_328 = arith.constant 16 : i32
        %mul3A_329 = arith.muli %scan3A_266, %mul3A_328 : i32
        %add3A_330 = arith.constant 2 : i32
        %add3A_331 = arith.addi %mul3A_329, %add3A_330 : i32
        %get3A_332 = arith.index_cast %add3A_331 : i32 to index
        %get3A_333 = arith.constant 0 : index
        %get3A_334 = tpu.vector_load %arg10[%get3A_332, %get3A_333] {strides = array<i32>} : memref<256x32xf32, #tpu.memory_space<vmem>>, vector<1x16xf32>,
        %get3A_335 = vector.shape_cast %get3A_334 : vector<1x16xf32> to vector<16xf32>
        %slice3A_336 = vector.extract_strided_slice %get3A_270 {offsets = [2], sizes = [1], strides = [1]} : vector<16xf32> to vector<1xf32>
        %squeeze3A_337 = vector.extract %slice3A_336[0] : f32 from vector<1xf32>
        %mul3A_338 = vector.broadcast %squeeze3A_337 : f32 to vector<16xf32>
        %mul3A_339 = arith.mulf %get3A_335, %mul3A_338 : vector<16xf32>
        %swap3A_340 = arith.index_cast %add3A_331 : i32 to index
        %swap3A_341 = arith.constant 0 : index
        %swap3A_342 = tpu.vector_load %arg10[%swap3A_340, %swap3A_341] {strides = array<i32>} : memref<256x32xf32, #tpu.memory_space<vmem>>, vector<1x16xf32>,
        %swap3A_343 = vector.shape_cast %swap3A_342 : vector<1x16xf32> to vector<16xf32>
        %swap3A_344 = vector.shape_cast %mul3A_339 : vector<16xf32> to vector<1x16xf32>
        tpu.vector_store %arg10[%swap3A_340, %swap3A_341], %swap3A_344 {strides = array<i32>} : memref<256x32xf32, #tpu.memory_space<vmem>>, vector<1x16xf32>,
        %get3A_345 = arith.index_cast %add3A_331 : i32 to index
        %get3A_346 = arith.constant 16 : index
        %get3A_347 = tpu.vector_load %arg10[%get3A_345, %get3A_346] {strides = array<i32>} : memref<256x32xf32, #tpu.memory_space<vmem>>, vector<1x16xf32>,
        %get3A_348 = vector.shape_cast %get3A_347 : vector<1x16xf32> to vector<16xf32>
        %slice3A_349 = vector.extract_strided_slice %get3A_270 {offsets = [2], sizes = [1], strides = [1]} : vector<16xf32> to vector<1xf32>
        %squeeze3A_350 = vector.extract %slice3A_349[0] : f32 from vector<1xf32>
        %mul3A_351 = vector.broadcast %squeeze3A_350 : f32 to vector<16xf32>
        %mul3A_352 = arith.mulf %get3A_348, %mul3A_351 : vector<16xf32>
        %swap3A_353 = arith.index_cast %add3A_331 : i32 to index
        %swap3A_354 = arith.constant 16 : index
        %swap3A_355 = tpu.vector_load %arg10[%swap3A_353, %swap3A_354] {strides = array<i32>} : memref<256x32xf32, #tpu.memory_space<vmem>>, vector<1x16xf32>,
        %swap3A_356 = vector.shape_cast %swap3A_355 : vector<1x16xf32> to vector<16xf32>
        %swap3A_357 = vector.shape_cast %mul3A_352 : vector<16xf32> to vector<1x16xf32>
        tpu.vector_store %arg10[%swap3A_353, %swap3A_354], %swap3A_357 {strides = array<i32>} : memref<256x32xf32, #tpu.memory_space<vmem>>, vector<1x16xf32>,
        %mul3A_358 = arith.constant 16 : i32
        %mul3A_359 = arith.muli %scan3A_266, %mul3A_358 : i32
        %add3A_360 = arith.constant 3 : i32
        %add3A_361 = arith.addi %mul3A_359, %add3A_360 : i32
        %get3A_362 = arith.index_cast %add3A_361 : i32 to index
        %get3A_363 = arith.constant 0 : index
        %get3A_364 = tpu.vector_load %arg10[%get3A_362, %get3A_363] {strides = array<i32>} : memref<256x32xf32, #tpu.memory_space<vmem>>, vector<1x16xf32>,
        %get3A_365 = vector.shape_cast %get3A_364 : vector<1x16xf32> to vector<16xf32>
        %slice3A_366 = vector.extract_strided_slice %get3A_270 {offsets = [3], sizes = [1], strides = [1]} : vector<16xf32> to vector<1xf32>
        %squeeze3A_367 = vector.extract %slice3A_366[0] : f32 from vector<1xf32>
        %mul3A_368 = vector.broadcast %squeeze3A_367 : f32 to vector<16xf32>
        %mul3A_369 = arith.mulf %get3A_365, %mul3A_368 : vector<16xf32>
        %swap3A_370 = arith.index_cast %add3A_361 : i32 to index
        %swap3A_371 = arith.constant 0 : index
        %swap3A_372 = tpu.vector_load %arg10[%swap3A_370, %swap3A_371] {strides = array<i32>} : memref<256x32xf32, #tpu.memory_space<vmem>>, vector<1x16xf32>,
        %swap3A_373 = vector.shape_cast %swap3A_372 : vector<1x16xf32> to vector<16xf32>
        %swap3A_374 = vector.shape_cast %mul3A_369 : vector<16xf32> to vector<1x16xf32>
        tpu.vector_store %arg10[%swap3A_370, %swap3A_371], %swap3A_374 {strides = array<i32>} : memref<256x32xf32, #tpu.memory_space<vmem>>, vector<1x16xf32>,
        %get3A_375 = arith.index_cast %add3A_361 : i32 to index
        %get3A_376 = arith.constant 16 : index
        %get3A_377 = tpu.vector_load %arg10[%get3A_375, %get3A_376] {strides = array<i32>} : memref<256x32xf32, #tpu.memory_space<vmem>>, vector<1x16xf32>,
        %get3A_378 = vector.shape_cast %get3A_377 : vector<1x16xf32> to vector<16xf32>
        %slice3A_379 = vector.extract_strided_slice %get3A_270 {offsets = [3], sizes = [1], strides = [1]} : vector<16xf32> to vector<1xf32>
        %squeeze3A_380 = vector.extract %slice3A_379[0] : f32 from vector<1xf32>
        %mul3A_381 = vector.broadcast %squeeze3A_380 : f32 to vector<16xf32>
        %mul3A_382 = arith.mulf %get3A_378, %mul3A_381 : vector<16xf32>
        %swap3A_383 = arith.index_cast %add3A_361 : i32 to index
        %swap3A_384 = arith.constant 16 : index
        %swap3A_385 = tpu.vector_load %arg10[%swap3A_383, %swap3A_384] {strides = array<i32>} : memref<256x32xf32, #tpu.memory_space<vmem>>, vector<1x16xf32>,
        %swap3A_386 = vector.shape_cast %swap3A_385 : vector<1x16xf32> to vector<16xf32>
        %swap3A_387 = vector.shape_cast %mul3A_382 : vector<16xf32> to vector<1x16xf32>
        tpu.vector_store %arg10[%swap3A_383, %swap3A_384], %swap3A_387 {strides = array<i32>} : memref<256x32xf32, #tpu.memory_space<vmem>>, vector<1x16xf32>,
        %mul3A_388 = arith.constant 16 : i32
        %mul3A_389 = arith.muli %scan3A_266, %mul3A_388 : i32
        %add3A_390 = arith.constant 4 : i32
        %add3A_391 = arith.addi %mul3A_389, %add3A_390 : i32
        %get3A_392 = arith.index_cast %add3A_391 : i32 to index
        %get3A_393 = arith.constant 0 : index
        %get3A_394 = tpu.vector_load %arg10[%get3A_392, %get3A_393] {strides = array<i32>} : memref<256x32xf32, #tpu.memory_space<vmem>>, vector<1x16xf32>,
        %get3A_395 = vector.shape_cast %get3A_394 : vector<1x16xf32> to vector<16xf32>
        %slice3A_396 = vector.extract_strided_slice %get3A_270 {offsets = [4], sizes = [1], strides = [1]} : vector<16xf32> to vector<1xf32>
        %squeeze3A_397 = vector.extract %slice3A_396[0] : f32 from vector<1xf32>
        %mul3A_398 = vector.broadcast %squeeze3A_397 : f32 to vector<16xf32>
        %mul3A_399 = arith.mulf %get3A_395, %mul3A_398 : vector<16xf32>
        %swap3A_400 = arith.index_cast %add3A_391 : i32 to index
        %swap3A_401 = arith.constant 0 : index
        %swap3A_402 = tpu.vector_load %arg10[%swap3A_400, %swap3A_401] {strides = array<i32>} : memref<256x32xf32, #tpu.memory_space<vmem>>, vector<1x16xf32>,
        %swap3A_403 = vector.shape_cast %swap3A_402 : vector<1x16xf32> to vector<16xf32>
        %swap3A_404 = vector.shape_cast %mul3A_399 : vector<16xf32> to vector<1x16xf32>
        tpu.vector_store %arg10[%swap3A_400, %swap3A_401], %swap3A_404 {strides = array<i32>} : memref<256x32xf32, #tpu.memory_space<vmem>>, vector<1x16xf32>,
        %get3A_405 = arith.index_cast %add3A_391 : i32 to index
        %get3A_406 = arith.constant 16 : index
        %get3A_407 = tpu.vector_load %arg10[%get3A_405, %get3A_406] {strides = array<i32>} : memref<256x32xf32, #tpu.memory_space<vmem>>, vector<1x16xf32>,
        %get3A_408 = vector.shape_cast %get3A_407 : vector<1x16xf32> to vector<16xf32>
        %slice3A_409 = vector.extract_strided_slice %get3A_270 {offsets = [4], sizes = [1], strides = [1]} : vector<16xf32> to vector<1xf32>
        %squeeze3A_410 = vector.extract %slice3A_409[0] : f32 from vector<1xf32>
        %mul3A_411 = vector.broadcast %squeeze3A_410 : f32 to vector<16xf32>
        %mul3A_412 = arith.mulf %get3A_408, %mul3A_411 : vector<16xf32>
        %swap3A_413 = arith.index_cast %add3A_391 : i32 to index
        %swap3A_414 = arith.constant 16 : index
        %swap3A_415 = tpu.vector_load %arg10[%swap3A_413, %swap3A_414] {strides = array<i32>} : memref<256x32xf32, #tpu.memory_space<vmem>>, vector<1x16xf32>,
        %swap3A_416 = vector.shape_cast %swap3A_415 : vector<1x16xf32> to vector<16xf32>
        %swap3A_417 = vector.shape_cast %mul3A_412 : vector<16xf32> to vector<1x16xf32>
        tpu.vector_store %arg10[%swap3A_413, %swap3A_414], %swap3A_417 {strides = array<i32>} : memref<256x32xf32, #tpu.memory_space<vmem>>, vector<1x16xf32>,
        %mul3A_418 = arith.constant 16 : i32
        %mul3A_419 = arith.muli %scan3A_266, %mul3A_418 : i32
        %add3A_420 = arith.constant 5 : i32
        %add3A_421 = arith.addi %mul3A_419, %add3A_420 : i32
        %get3A_422 = arith.index_cast %add3A_421 : i32 to index
        %get3A_423 = arith.constant 0 : index
        %get3A_424 = tpu.vector_load %arg10[%get3A_422, %get3A_423] {strides = array<i32>} : memref<256x32xf32, #tpu.memory_space<vmem>>, vector<1x16xf32>,
        %get3A_425 = vector.shape_cast %get3A_424 : vector<1x16xf32> to vector<16xf32>
        %slice3A_426 = vector.extract_strided_slice %get3A_270 {offsets = [5], sizes = [1], strides = [1]} : vector<16xf32> to vector<1xf32>
        %squeeze3A_427 = vector.extract %slice3A_426[0] : f32 from vector<1xf32>
        %mul3A_428 = vector.broadcast %squeeze3A_427 : f32 to vector<16xf32>
        %mul3A_429 = arith.mulf %get3A_425, %mul3A_428 : vector<16xf32>
        %swap3A_430 = arith.index_cast %add3A_421 : i32 to index
        %swap3A_431 = arith.constant 0 : index
        %swap3A_432 = tpu.vector_load %arg10[%swap3A_430, %swap3A_431] {strides = array<i32>} : memref<256x32xf32, #tpu.memory_space<vmem>>, vector<1x16xf32>,
        %swap3A_433 = vector.shape_cast %swap3A_432 : vector<1x16xf32> to vector<16xf32>
        %swap3A_434 = vector.shape_cast %mul3A_429 : vector<16xf32> to vector<1x16xf32>
        tpu.vector_store %arg10[%swap3A_430, %swap3A_431], %swap3A_434 {strides = array<i32>} : memref<256x32xf32, #tpu.memory_space<vmem>>, vector<1x16xf32>,
        %get3A_435 = arith.index_cast %add3A_421 : i32 to index
        %get3A_436 = arith.constant 16 : index
        %get3A_437 = tpu.vector_load %arg10[%get3A_435, %get3A_436] {strides = array<i32>} : memref<256x32xf32, #tpu.memory_space<vmem>>, vector<1x16xf32>,
        %get3A_438 = vector.shape_cast %get3A_437 : vector<1x16xf32> to vector<16xf32>
        %slice3A_439 = vector.extract_strided_slice %get3A_270 {offsets = [5], sizes = [1], strides = [1]} : vector<16xf32> to vector<1xf32>
        %squeeze3A_440 = vector.extract %slice3A_439[0] : f32 from vector<1xf32>
        %mul3A_441 = vector.broadcast %squeeze3A_440 : f32 to vector<16xf32>
        %mul3A_442 = arith.mulf %get3A_438, %mul3A_441 : vector<16xf32>
        %swap3A_443 = arith.index_cast %add3A_421 : i32 to index
        %swap3A_444 = arith.constant 16 : index
        %swap3A_445 = tpu.vector_load %arg10[%swap3A_443, %swap3A_444] {strides = array<i32>} : memref<256x32xf32, #tpu.memory_space<vmem>>, vector<1x16xf32>,
        %swap3A_446 = vector.shape_cast %swap3A_445 : vector<1x16xf32> to vector<16xf32>
        %swap3A_447 = vector.shape_cast %mul3A_442 : vector<16xf32> to vector<1x16xf32>
        tpu.vector_store %arg10[%swap3A_443, %swap3A_444], %swap3A_447 {strides = array<i32>} : memref<256x32xf32, #tpu.memory_space<vmem>>, vector<1x16xf32>,
        %mul3A_448 = arith.constant 16 : i32
        %mul3A_449 = arith.muli %scan3A_266, %mul3A_448 : i32
        %add3A_450 = arith.constant 6 : i32
        %add3A_451 = arith.addi %mul3A_449, %add3A_450 : i32
        %get3A_452 = arith.index_cast %add3A_451 : i32 to index
        %get3A_453 = arith.constant 0 : index
        %get3A_454 = tpu.vector_load %arg10[%get3A_452, %get3A_453] {strides = array<i32>} : memref<256x32xf32, #tpu.memory_space<vmem>>, vector<1x16xf32>,
        %get3A_455 = vector.shape_cast %get3A_454 : vector<1x16xf32> to vector<16xf32>
        %slice3A_456 = vector.extract_strided_slice %get3A_270 {offsets = [6], sizes = [1], strides = [1]} : vector<16xf32> to vector<1xf32>
        %squeeze3A_457 = vector.extract %slice3A_456[0] : f32 from vector<1xf32>
        %mul3A_458 = vector.broadcast %squeeze3A_457 : f32 to vector<16xf32>
        %mul3A_459 = arith.mulf %get3A_455, %mul3A_458 : vector<16xf32>
        %swap3A_460 = arith.index_cast %add3A_451 : i32 to index
        %swap3A_461 = arith.constant 0 : index
        %swap3A_462 = tpu.vector_load %arg10[%swap3A_460, %swap3A_461] {strides = array<i32>} : memref<256x32xf32, #tpu.memory_space<vmem>>, vector<1x16xf32>,
        %swap3A_463 = vector.shape_cast %swap3A_462 : vector<1x16xf32> to vector<16xf32>
        %swap3A_464 = vector.shape_cast %mul3A_459 : vector<16xf32> to vector<1x16xf32>
        tpu.vector_store %arg10[%swap3A_460, %swap3A_461], %swap3A_464 {strides = array<i32>} : memref<256x32xf32, #tpu.memory_space<vmem>>, vector<1x16xf32>,
        %get3A_465 = arith.index_cast %add3A_451 : i32 to index
        %get3A_466 = arith.constant 16 : index
        %get3A_467 = tpu.vector_load %arg10[%get3A_465, %get3A_466] {strides = array<i32>} : memref<256x32xf32, #tpu.memory_space<vmem>>, vector<1x16xf32>,
        %get3A_468 = vector.shape_cast %get3A_467 : vector<1x16xf32> to vector<16xf32>
        %slice3A_469 = vector.extract_strided_slice %get3A_270 {offsets = [6], sizes = [1], strides = [1]} : vector<16xf32> to vector<1xf32>
        %squeeze3A_470 = vector.extract %slice3A_469[0] : f32 from vector<1xf32>
        %mul3A_471 = vector.broadcast %squeeze3A_470 : f32 to vector<16xf32>
        %mul3A_472 = arith.mulf %get3A_468, %mul3A_471 : vector<16xf32>
        %swap3A_473 = arith.index_cast %add3A_451 : i32 to index
        %swap3A_474 = arith.constant 16 : index
        %swap3A_475 = tpu.vector_load %arg10[%swap3A_473, %swap3A_474] {strides = array<i32>} : memref<256x32xf32, #tpu.memory_space<vmem>>, vector<1x16xf32>,
        %swap3A_476 = vector.shape_cast %swap3A_475 : vector<1x16xf32> to vector<16xf32>
        %swap3A_477 = vector.shape_cast %mul3A_472 : vector<16xf32> to vector<1x16xf32>
        tpu.vector_store %arg10[%swap3A_473, %swap3A_474], %swap3A_477 {strides = array<i32>} : memref<256x32xf32, #tpu.memory_space<vmem>>, vector<1x16xf32>,
        %mul3A_478 = arith.constant 16 : i32
        %mul3A_479 = arith.muli %scan3A_266, %mul3A_478 : i32
        %add3A_480 = arith.constant 7 : i32
        %add3A_481 = arith.addi %mul3A_479, %add3A_480 : i32
        %get3A_482 = arith.index_cast %add3A_481 : i32 to index
        %get3A_483 = arith.constant 0 : index
        %get3A_484 = tpu.vector_load %arg10[%get3A_482, %get3A_483] {strides = array<i32>} : memref<256x32xf32, #tpu.memory_space<vmem>>, vector<1x16xf32>,
        %get3A_485 = vector.shape_cast %get3A_484 : vector<1x16xf32> to vector<16xf32>
        %slice3A_486 = vector.extract_strided_slice %get3A_270 {offsets = [7], sizes = [1], strides = [1]} : vector<16xf32> to vector<1xf32>
        %squeeze3A_487 = vector.extract %slice3A_486[0] : f32 from vector<1xf32>
        %mul3A_488 = vector.broadcast %squeeze3A_487 : f32 to vector<16xf32>
        %mul3A_489 = arith.mulf %get3A_485, %mul3A_488 : vector<16xf32>
        %swap3A_490 = arith.index_cast %add3A_481 : i32 to index
        %swap3A_491 = arith.constant 0 : index
        %swap3A_492 = tpu.vector_load %arg10[%swap3A_490, %swap3A_491] {strides = array<i32>} : memref<256x32xf32, #tpu.memory_space<vmem>>, vector<1x16xf32>,
        %swap3A_493 = vector.shape_cast %swap3A_492 : vector<1x16xf32> to vector<16xf32>
        %swap3A_494 = vector.shape_cast %mul3A_489 : vector<16xf32> to vector<1x16xf32>
        tpu.vector_store %arg10[%swap3A_490, %swap3A_491], %swap3A_494 {strides = array<i32>} : memref<256x32xf32, #tpu.memory_space<vmem>>, vector<1x16xf32>,
        %get3A_495 = arith.index_cast %add3A_481 : i32 to index
        %get3A_496 = arith.constant 16 : index
        %get3A_497 = tpu.vector_load %arg10[%get3A_495, %get3A_496] {strides = array<i32>} : memref<256x32xf32, #tpu.memory_space<vmem>>, vector<1x16xf32>,
        %get3A_498 = vector.shape_cast %get3A_497 : vector<1x16xf32> to vector<16xf32>
        %slice3A_499 = vector.extract_strided_slice %get3A_270 {offsets = [7], sizes = [1], strides = [1]} : vector<16xf32> to vector<1xf32>
        %squeeze3A_500 = vector.extract %slice3A_499[0] : f32 from vector<1xf32>
        %mul3A_501 = vector.broadcast %squeeze3A_500 : f32 to vector<16xf32>
        %mul3A_502 = arith.mulf %get3A_498, %mul3A_501 : vector<16xf32>
        %swap3A_503 = arith.index_cast %add3A_481 : i32 to index
        %swap3A_504 = arith.constant 16 : index
        %swap3A_505 = tpu.vector_load %arg10[%swap3A_503, %swap3A_504] {strides = array<i32>} : memref<256x32xf32, #tpu.memory_space<vmem>>, vector<1x16xf32>,
        %swap3A_506 = vector.shape_cast %swap3A_505 : vector<1x16xf32> to vector<16xf32>
        %swap3A_507 = vector.shape_cast %mul3A_502 : vector<16xf32> to vector<1x16xf32>
        tpu.vector_store %arg10[%swap3A_503, %swap3A_504], %swap3A_507 {strides = array<i32>} : memref<256x32xf32, #tpu.memory_space<vmem>>, vector<1x16xf32>,
        %mul3A_508 = arith.constant 16 : i32
        %mul3A_509 = arith.muli %scan3A_266, %mul3A_508 : i32
        %add3A_510 = arith.constant 8 : i32
        %add3A_511 = arith.addi %mul3A_509, %add3A_510 : i32
        %get3A_512 = arith.index_cast %add3A_511 : i32 to index
        %get3A_513 = arith.constant 0 : index
        %get3A_514 = tpu.vector_load %arg10[%get3A_512, %get3A_513] {strides = array<i32>} : memref<256x32xf32, #tpu.memory_space<vmem>>, vector<1x16xf32>,
        %get3A_515 = vector.shape_cast %get3A_514 : vector<1x16xf32> to vector<16xf32>
        %slice3A_516 = vector.extract_strided_slice %get3A_270 {offsets = [8], sizes = [1], strides = [1]} : vector<16xf32> to vector<1xf32>
        %squeeze3A_517 = vector.extract %slice3A_516[0] : f32 from vector<1xf32>
        %mul3A_518 = vector.broadcast %squeeze3A_517 : f32 to vector<16xf32>
        %mul3A_519 = arith.mulf %get3A_515, %mul3A_518 : vector<16xf32>
        %swap3A_520 = arith.index_cast %add3A_511 : i32 to index
        %swap3A_521 = arith.constant 0 : index
        %swap3A_522 = tpu.vector_load %arg10[%swap3A_520, %swap3A_521] {strides = array<i32>} : memref<256x32xf32, #tpu.memory_space<vmem>>, vector<1x16xf32>,
        %swap3A_523 = vector.shape_cast %swap3A_522 : vector<1x16xf32> to vector<16xf32>
        %swap3A_524 = vector.shape_cast %mul3A_519 : vector<16xf32> to vector<1x16xf32>
        tpu.vector_store %arg10[%swap3A_520, %swap3A_521], %swap3A_524 {strides = array<i32>} : memref<256x32xf32, #tpu.memory_space<vmem>>, vector<1x16xf32>,
        %get3A_525 = arith.index_cast %add3A_511 : i32 to index
        %get3A_526 = arith.constant 16 : index
        %get3A_527 = tpu.vector_load %arg10[%get3A_525, %get3A_526] {strides = array<i32>} : memref<256x32xf32, #tpu.memory_space<vmem>>, vector<1x16xf32>,
        %get3A_528 = vector.shape_cast %get3A_527 : vector<1x16xf32> to vector<16xf32>
        %slice3A_529 = vector.extract_strided_slice %get3A_270 {offsets = [8], sizes = [1], strides = [1]} : vector<16xf32> to vector<1xf32>
        %squeeze3A_530 = vector.extract %slice3A_529[0] : f32 from vector<1xf32>
        %mul3A_531 = vector.broadcast %squeeze3A_530 : f32 to vector<16xf32>
        %mul3A_532 = arith.mulf %get3A_528, %mul3A_531 : vector<16xf32>
        %swap3A_533 = arith.index_cast %add3A_511 : i32 to index
        %swap3A_534 = arith.constant 16 : index
        %swap3A_535 = tpu.vector_load %arg10[%swap3A_533, %swap3A_534] {strides = array<i32>} : memref<256x32xf32, #tpu.memory_space<vmem>>, vector<1x16xf32>,
        %swap3A_536 = vector.shape_cast %swap3A_535 : vector<1x16xf32> to vector<16xf32>
        %swap3A_537 = vector.shape_cast %mul3A_532 : vector<16xf32> to vector<1x16xf32>
        tpu.vector_store %arg10[%swap3A_533, %swap3A_534], %swap3A_537 {strides = array<i32>} : memref<256x32xf32, #tpu.memory_space<vmem>>, vector<1x16xf32>,
        %mul3A_538 = arith.constant 16 : i32
        %mul3A_539 = arith.muli %scan3A_266, %mul3A_538 : i32
        %add3A_540 = arith.constant 9 : i32
        %add3A_541 = arith.addi %mul3A_539, %add3A_540 : i32
        %get3A_542 = arith.index_cast %add3A_541 : i32 to index
        %get3A_543 = arith.constant 0 : index
        %get3A_544 = tpu.vector_load %arg10[%get3A_542, %get3A_543] {strides = array<i32>} : memref<256x32xf32, #tpu.memory_space<vmem>>, vector<1x16xf32>,
        %get3A_545 = vector.shape_cast %get3A_544 : vector<1x16xf32> to vector<16xf32>
        %slice3A_546 = vector.extract_strided_slice %get3A_270 {offsets = [9], sizes = [1], strides = [1]} : vector<16xf32> to vector<1xf32>
        %squeeze3A_547 = vector.extract %slice3A_546[0] : f32 from vector<1xf32>
        %mul3A_548 = vector.broadcast %squeeze3A_547 : f32 to vector<16xf32>
        %mul3A_549 = arith.mulf %get3A_545, %mul3A_548 : vector<16xf32>
        %swap3A_550 = arith.index_cast %add3A_541 : i32 to index
        %swap3A_551 = arith.constant 0 : index
        %swap3A_552 = tpu.vector_load %arg10[%swap3A_550, %swap3A_551] {strides = array<i32>} : memref<256x32xf32, #tpu.memory_space<vmem>>, vector<1x16xf32>,
        %swap3A_553 = vector.shape_cast %swap3A_552 : vector<1x16xf32> to vector<16xf32>
        %swap3A_554 = vector.shape_cast %mul3A_549 : vector<16xf32> to vector<1x16xf32>
        tpu.vector_store %arg10[%swap3A_550, %swap3A_551], %swap3A_554 {strides = array<i32>} : memref<256x32xf32, #tpu.memory_space<vmem>>, vector<1x16xf32>,
        %get3A_555 = arith.index_cast %add3A_541 : i32 to index
        %get3A_556 = arith.constant 16 : index
        %get3A_557 = tpu.vector_load %arg10[%get3A_555, %get3A_556] {strides = array<i32>} : memref<256x32xf32, #tpu.memory_space<vmem>>, vector<1x16xf32>,
        %get3A_558 = vector.shape_cast %get3A_557 : vector<1x16xf32> to vector<16xf32>
        %slice3A_559 = vector.extract_strided_slice %get3A_270 {offsets = [9], sizes = [1], strides = [1]} : vector<16xf32> to vector<1xf32>
        %squeeze3A_560 = vector.extract %slice3A_559[0] : f32 from vector<1xf32>
        %mul3A_561 = vector.broadcast %squeeze3A_560 : f32 to vector<16xf32>
        %mul3A_562 = arith.mulf %get3A_558, %mul3A_561 : vector<16xf32>
        %swap3A_563 = arith.index_cast %add3A_541 : i32 to index
        %swap3A_564 = arith.constant 16 : index
        %swap3A_565 = tpu.vector_load %arg10[%swap3A_563, %swap3A_564] {strides = array<i32>} : memref<256x32xf32, #tpu.memory_space<vmem>>, vector<1x16xf32>,
        %swap3A_566 = vector.shape_cast %swap3A_565 : vector<1x16xf32> to vector<16xf32>
        %swap3A_567 = vector.shape_cast %mul3A_562 : vector<16xf32> to vector<1x16xf32>
        tpu.vector_store %arg10[%swap3A_563, %swap3A_564], %swap3A_567 {strides = array<i32>} : memref<256x32xf32, #tpu.memory_space<vmem>>, vector<1x16xf32>,
        %mul3A_568 = arith.constant 16 : i32
        %mul3A_569 = arith.muli %scan3A_266, %mul3A_568 : i32
        %add3A_570 = arith.constant 10 : i32
        %add3A_571 = arith.addi %mul3A_569, %add3A_570 : i32
        %get3A_572 = arith.index_cast %add3A_571 : i32 to index
        %get3A_573 = arith.constant 0 : index
        %get3A_574 = tpu.vector_load %arg10[%get3A_572, %get3A_573] {strides = array<i32>} : memref<256x32xf32, #tpu.memory_space<vmem>>, vector<1x16xf32>,
        %get3A_575 = vector.shape_cast %get3A_574 : vector<1x16xf32> to vector<16xf32>
        %slice3A_576 = vector.extract_strided_slice %get3A_270 {offsets = [10], sizes = [1], strides = [1]} : vector<16xf32> to vector<1xf32>
        %squeeze3A_577 = vector.extract %slice3A_576[0] : f32 from vector<1xf32>
        %mul3A_578 = vector.broadcast %squeeze3A_577 : f32 to vector<16xf32>
        %mul3A_579 = arith.mulf %get3A_575, %mul3A_578 : vector<16xf32>
        %swap3A_580 = arith.index_cast %add3A_571 : i32 to index
        %swap3A_581 = arith.constant 0 : index
        %swap3A_582 = tpu.vector_load %arg10[%swap3A_580, %swap3A_581] {strides = array<i32>} : memref<256x32xf32, #tpu.memory_space<vmem>>, vector<1x16xf32>,
        %swap3A_583 = vector.shape_cast %swap3A_582 : vector<1x16xf32> to vector<16xf32>
        %swap3A_584 = vector.shape_cast %mul3A_579 : vector<16xf32> to vector<1x16xf32>
        tpu.vector_store %arg10[%swap3A_580, %swap3A_581], %swap3A_584 {strides = array<i32>} : memref<256x32xf32, #tpu.memory_space<vmem>>, vector<1x16xf32>,
        %get3A_585 = arith.index_cast %add3A_571 : i32 to index
        %get3A_586 = arith.constant 16 : index
        %get3A_587 = tpu.vector_load %arg10[%get3A_585, %get3A_586] {strides = array<i32>} : memref<256x32xf32, #tpu.memory_space<vmem>>, vector<1x16xf32>,
        %get3A_588 = vector.shape_cast %get3A_587 : vector<1x16xf32> to vector<16xf32>
        %slice3A_589 = vector.extract_strided_slice %get3A_270 {offsets = [10], sizes = [1], strides = [1]} : vector<16xf32> to vector<1xf32>
        %squeeze3A_590 = vector.extract %slice3A_589[0] : f32 from vector<1xf32>
        %mul3A_591 = vector.broadcast %squeeze3A_590 : f32 to vector<16xf32>
        %mul3A_592 = arith.mulf %get3A_588, %mul3A_591 : vector<16xf32>
        %swap3A_593 = arith.index_cast %add3A_571 : i32 to index
        %swap3A_594 = arith.constant 16 : index
        %swap3A_595 = tpu.vector_load %arg10[%swap3A_593, %swap3A_594] {strides = array<i32>} : memref<256x32xf32, #tpu.memory_space<vmem>>, vector<1x16xf32>,
        %swap3A_596 = vector.shape_cast %swap3A_595 : vector<1x16xf32> to vector<16xf32>
        %swap3A_597 = vector.shape_cast %mul3A_592 : vector<16xf32> to vector<1x16xf32>
        tpu.vector_store %arg10[%swap3A_593, %swap3A_594], %swap3A_597 {strides = array<i32>} : memref<256x32xf32, #tpu.memory_space<vmem>>, vector<1x16xf32>,
        %mul3A_598 = arith.constant 16 : i32
        %mul3A_599 = arith.muli %scan3A_266, %mul3A_598 : i32
        %add3A_600 = arith.constant 11 : i32
        %add3A_601 = arith.addi %mul3A_599, %add3A_600 : i32
        %get3A_602 = arith.index_cast %add3A_601 : i32 to index
        %get3A_603 = arith.constant 0 : index
        %get3A_604 = tpu.vector_load %arg10[%get3A_602, %get3A_603] {strides = array<i32>} : memref<256x32xf32, #tpu.memory_space<vmem>>, vector<1x16xf32>,
        %get3A_605 = vector.shape_cast %get3A_604 : vector<1x16xf32> to vector<16xf32>
        %slice3A_606 = vector.extract_strided_slice %get3A_270 {offsets = [11], sizes = [1], strides = [1]} : vector<16xf32> to vector<1xf32>
        %squeeze3A_607 = vector.extract %slice3A_606[0] : f32 from vector<1xf32>
        %mul3A_608 = vector.broadcast %squeeze3A_607 : f32 to vector<16xf32>
        %mul3A_609 = arith.mulf %get3A_605, %mul3A_608 : vector<16xf32>
        %swap3A_610 = arith.index_cast %add3A_601 : i32 to index
        %swap3A_611 = arith.constant 0 : index
        %swap3A_612 = tpu.vector_load %arg10[%swap3A_610, %swap3A_611] {strides = array<i32>} : memref<256x32xf32, #tpu.memory_space<vmem>>, vector<1x16xf32>,
        %swap3A_613 = vector.shape_cast %swap3A_612 : vector<1x16xf32> to vector<16xf32>
        %swap3A_614 = vector.shape_cast %mul3A_609 : vector<16xf32> to vector<1x16xf32>
        tpu.vector_store %arg10[%swap3A_610, %swap3A_611], %swap3A_614 {strides = array<i32>} : memref<256x32xf32, #tpu.memory_space<vmem>>, vector<1x16xf32>,
        %get3A_615 = arith.index_cast %add3A_601 : i32 to index
        %get3A_616 = arith.constant 16 : index
        %get3A_617 = tpu.vector_load %arg10[%get3A_615, %get3A_616] {strides = array<i32>} : memref<256x32xf32, #tpu.memory_space<vmem>>, vector<1x16xf32>,
        %get3A_618 = vector.shape_cast %get3A_617 : vector<1x16xf32> to vector<16xf32>
        %slice3A_619 = vector.extract_strided_slice %get3A_270 {offsets = [11], sizes = [1], strides = [1]} : vector<16xf32> to vector<1xf32>
        %squeeze3A_620 = vector.extract %slice3A_619[0] : f32 from vector<1xf32>
        %mul3A_621 = vector.broadcast %squeeze3A_620 : f32 to vector<16xf32>
        %mul3A_622 = arith.mulf %get3A_618, %mul3A_621 : vector<16xf32>
        %swap3A_623 = arith.index_cast %add3A_601 : i32 to index
        %swap3A_624 = arith.constant 16 : index
        %swap3A_625 = tpu.vector_load %arg10[%swap3A_623, %swap3A_624] {strides = array<i32>} : memref<256x32xf32, #tpu.memory_space<vmem>>, vector<1x16xf32>,
        %swap3A_626 = vector.shape_cast %swap3A_625 : vector<1x16xf32> to vector<16xf32>
        %swap3A_627 = vector.shape_cast %mul3A_622 : vector<16xf32> to vector<1x16xf32>
        tpu.vector_store %arg10[%swap3A_623, %swap3A_624], %swap3A_627 {strides = array<i32>} : memref<256x32xf32, #tpu.memory_space<vmem>>, vector<1x16xf32>,
        %mul3A_628 = arith.constant 16 : i32
        %mul3A_629 = arith.muli %scan3A_266, %mul3A_628 : i32
        %add3A_630 = arith.constant 12 : i32
        %add3A_631 = arith.addi %mul3A_629, %add3A_630 : i32
        %get3A_632 = arith.index_cast %add3A_631 : i32 to index
        %get3A_633 = arith.constant 0 : index
        %get3A_634 = tpu.vector_load %arg10[%get3A_632, %get3A_633] {strides = array<i32>} : memref<256x32xf32, #tpu.memory_space<vmem>>, vector<1x16xf32>,
        %get3A_635 = vector.shape_cast %get3A_634 : vector<1x16xf32> to vector<16xf32>
        %slice3A_636 = vector.extract_strided_slice %get3A_270 {offsets = [12], sizes = [1], strides = [1]} : vector<16xf32> to vector<1xf32>
        %squeeze3A_637 = vector.extract %slice3A_636[0] : f32 from vector<1xf32>
        %mul3A_638 = vector.broadcast %squeeze3A_637 : f32 to vector<16xf32>
        %mul3A_639 = arith.mulf %get3A_635, %mul3A_638 : vector<16xf32>
        %swap3A_640 = arith.index_cast %add3A_631 : i32 to index
        %swap3A_641 = arith.constant 0 : index
        %swap3A_642 = tpu.vector_load %arg10[%swap3A_640, %swap3A_641] {strides = array<i32>} : memref<256x32xf32, #tpu.memory_space<vmem>>, vector<1x16xf32>,
        %swap3A_643 = vector.shape_cast %swap3A_642 : vector<1x16xf32> to vector<16xf32>
        %swap3A_644 = vector.shape_cast %mul3A_639 : vector<16xf32> to vector<1x16xf32>
        tpu.vector_store %arg10[%swap3A_640, %swap3A_641], %swap3A_644 {strides = array<i32>} : memref<256x32xf32, #tpu.memory_space<vmem>>, vector<1x16xf32>,
        %get3A_645 = arith.index_cast %add3A_631 : i32 to index
        %get3A_646 = arith.constant 16 : index
        %get3A_647 = tpu.vector_load %arg10[%get3A_645, %get3A_646] {strides = array<i32>} : memref<256x32xf32, #tpu.memory_space<vmem>>, vector<1x16xf32>,
        %get3A_648 = vector.shape_cast %get3A_647 : vector<1x16xf32> to vector<16xf32>
        %slice3A_649 = vector.extract_strided_slice %get3A_270 {offsets = [12], sizes = [1], strides = [1]} : vector<16xf32> to vector<1xf32>
        %squeeze3A_650 = vector.extract %slice3A_649[0] : f32 from vector<1xf32>
        %mul3A_651 = vector.broadcast %squeeze3A_650 : f32 to vector<16xf32>
        %mul3A_652 = arith.mulf %get3A_648, %mul3A_651 : vector<16xf32>
        %swap3A_653 = arith.index_cast %add3A_631 : i32 to index
        %swap3A_654 = arith.constant 16 : index
        %swap3A_655 = tpu.vector_load %arg10[%swap3A_653, %swap3A_654] {strides = array<i32>} : memref<256x32xf32, #tpu.memory_space<vmem>>, vector<1x16xf32>,
        %swap3A_656 = vector.shape_cast %swap3A_655 : vector<1x16xf32> to vector<16xf32>
        %swap3A_657 = vector.shape_cast %mul3A_652 : vector<16xf32> to vector<1x16xf32>
        tpu.vector_store %arg10[%swap3A_653, %swap3A_654], %swap3A_657 {strides = array<i32>} : memref<256x32xf32, #tpu.memory_space<vmem>>, vector<1x16xf32>,
        %mul3A_658 = arith.constant 16 : i32
        %mul3A_659 = arith.muli %scan3A_266, %mul3A_658 : i32
        %add3A_660 = arith.constant 13 : i32
        %add3A_661 = arith.addi %mul3A_659, %add3A_660 : i32
        %get3A_662 = arith.index_cast %add3A_661 : i32 to index
        %get3A_663 = arith.constant 0 : index
        %get3A_664 = tpu.vector_load %arg10[%get3A_662, %get3A_663] {strides = array<i32>} : memref<256x32xf32, #tpu.memory_space<vmem>>, vector<1x16xf32>,
        %get3A_665 = vector.shape_cast %get3A_664 : vector<1x16xf32> to vector<16xf32>
        %slice3A_666 = vector.extract_strided_slice %get3A_270 {offsets = [13], sizes = [1], strides = [1]} : vector<16xf32> to vector<1xf32>
        %squeeze3A_667 = vector.extract %slice3A_666[0] : f32 from vector<1xf32>
        %mul3A_668 = vector.broadcast %squeeze3A_667 : f32 to vector<16xf32>
        %mul3A_669 = arith.mulf %get3A_665, %mul3A_668 : vector<16xf32>
        %swap3A_670 = arith.index_cast %add3A_661 : i32 to index
        %swap3A_671 = arith.constant 0 : index
        %swap3A_672 = tpu.vector_load %arg10[%swap3A_670, %swap3A_671] {strides = array<i32>} : memref<256x32xf32, #tpu.memory_space<vmem>>, vector<1x16xf32>,
        %swap3A_673 = vector.shape_cast %swap3A_672 : vector<1x16xf32> to vector<16xf32>
        %swap3A_674 = vector.shape_cast %mul3A_669 : vector<16xf32> to vector<1x16xf32>
        tpu.vector_store %arg10[%swap3A_670, %swap3A_671], %swap3A_674 {strides = array<i32>} : memref<256x32xf32, #tpu.memory_space<vmem>>, vector<1x16xf32>,
        %get3A_675 = arith.index_cast %add3A_661 : i32 to index
        %get3A_676 = arith.constant 16 : index
        %get3A_677 = tpu.vector_load %arg10[%get3A_675, %get3A_676] {strides = array<i32>} : memref<256x32xf32, #tpu.memory_space<vmem>>, vector<1x16xf32>,
        %get3A_678 = vector.shape_cast %get3A_677 : vector<1x16xf32> to vector<16xf32>
        %slice3A_679 = vector.extract_strided_slice %get3A_270 {offsets = [13], sizes = [1], strides = [1]} : vector<16xf32> to vector<1xf32>
        %squeeze3A_680 = vector.extract %slice3A_679[0] : f32 from vector<1xf32>
        %mul3A_681 = vector.broadcast %squeeze3A_680 : f32 to vector<16xf32>
        %mul3A_682 = arith.mulf %get3A_678, %mul3A_681 : vector<16xf32>
        %swap3A_683 = arith.index_cast %add3A_661 : i32 to index
        %swap3A_684 = arith.constant 16 : index
        %swap3A_685 = tpu.vector_load %arg10[%swap3A_683, %swap3A_684] {strides = array<i32>} : memref<256x32xf32, #tpu.memory_space<vmem>>, vector<1x16xf32>,
        %swap3A_686 = vector.shape_cast %swap3A_685 : vector<1x16xf32> to vector<16xf32>
        %swap3A_687 = vector.shape_cast %mul3A_682 : vector<16xf32> to vector<1x16xf32>
        tpu.vector_store %arg10[%swap3A_683, %swap3A_684], %swap3A_687 {strides = array<i32>} : memref<256x32xf32, #tpu.memory_space<vmem>>, vector<1x16xf32>,
        %mul3A_688 = arith.constant 16 : i32
        %mul3A_689 = arith.muli %scan3A_266, %mul3A_688 : i32
        %add3A_690 = arith.constant 14 : i32
        %add3A_691 = arith.addi %mul3A_689, %add3A_690 : i32
        %get3A_692 = arith.index_cast %add3A_691 : i32 to index
        %get3A_693 = arith.constant 0 : index
        %get3A_694 = tpu.vector_load %arg10[%get3A_692, %get3A_693] {strides = array<i32>} : memref<256x32xf32, #tpu.memory_space<vmem>>, vector<1x16xf32>,
        %get3A_695 = vector.shape_cast %get3A_694 : vector<1x16xf32> to vector<16xf32>
        %slice3A_696 = vector.extract_strided_slice %get3A_270 {offsets = [14], sizes = [1], strides = [1]} : vector<16xf32> to vector<1xf32>
        %squeeze3A_697 = vector.extract %slice3A_696[0] : f32 from vector<1xf32>
        %mul3A_698 = vector.broadcast %squeeze3A_697 : f32 to vector<16xf32>
        %mul3A_699 = arith.mulf %get3A_695, %mul3A_698 : vector<16xf32>
        %swap3A_700 = arith.index_cast %add3A_691 : i32 to index
        %swap3A_701 = arith.constant 0 : index
        %swap3A_702 = tpu.vector_load %arg10[%swap3A_700, %swap3A_701] {strides = array<i32>} : memref<256x32xf32, #tpu.memory_space<vmem>>, vector<1x16xf32>,
        %swap3A_703 = vector.shape_cast %swap3A_702 : vector<1x16xf32> to vector<16xf32>
        %swap3A_704 = vector.shape_cast %mul3A_699 : vector<16xf32> to vector<1x16xf32>
        tpu.vector_store %arg10[%swap3A_700, %swap3A_701], %swap3A_704 {strides = array<i32>} : memref<256x32xf32, #tpu.memory_space<vmem>>, vector<1x16xf32>,
        %get3A_705 = arith.index_cast %add3A_691 : i32 to index
        %get3A_706 = arith.constant 16 : index
        %get3A_707 = tpu.vector_load %arg10[%get3A_705, %get3A_706] {strides = array<i32>} : memref<256x32xf32, #tpu.memory_space<vmem>>, vector<1x16xf32>,
        %get3A_708 = vector.shape_cast %get3A_707 : vector<1x16xf32> to vector<16xf32>
        %slice3A_709 = vector.extract_strided_slice %get3A_270 {offsets = [14], sizes = [1], strides = [1]} : vector<16xf32> to vector<1xf32>
        %squeeze3A_710 = vector.extract %slice3A_709[0] : f32 from vector<1xf32>
        %mul3A_711 = vector.broadcast %squeeze3A_710 : f32 to vector<16xf32>
        %mul3A_712 = arith.mulf %get3A_708, %mul3A_711 : vector<16xf32>
        %swap3A_713 = arith.index_cast %add3A_691 : i32 to index
        %swap3A_714 = arith.constant 16 : index
        %swap3A_715 = tpu.vector_load %arg10[%swap3A_713, %swap3A_714] {strides = array<i32>} : memref<256x32xf32, #tpu.memory_space<vmem>>, vector<1x16xf32>,
        %swap3A_716 = vector.shape_cast %swap3A_715 : vector<1x16xf32> to vector<16xf32>
        %swap3A_717 = vector.shape_cast %mul3A_712 : vector<16xf32> to vector<1x16xf32>
        tpu.vector_store %arg10[%swap3A_713, %swap3A_714], %swap3A_717 {strides = array<i32>} : memref<256x32xf32, #tpu.memory_space<vmem>>, vector<1x16xf32>,
        %mul3A_718 = arith.constant 16 : i32
        %mul3A_719 = arith.muli %scan3A_266, %mul3A_718 : i32
        %add3A_720 = arith.constant 15 : i32
        %add3A_721 = arith.addi %mul3A_719, %add3A_720 : i32
        %get3A_722 = arith.index_cast %add3A_721 : i32 to index
        %get3A_723 = arith.constant 0 : index
        %get3A_724 = tpu.vector_load %arg10[%get3A_722, %get3A_723] {strides = array<i32>} : memref<256x32xf32, #tpu.memory_space<vmem>>, vector<1x16xf32>,
        %get3A_725 = vector.shape_cast %get3A_724 : vector<1x16xf32> to vector<16xf32>
        %slice3A_726 = vector.extract_strided_slice %get3A_270 {offsets = [15], sizes = [1], strides = [1]} : vector<16xf32> to vector<1xf32>
        %squeeze3A_727 = vector.extract %slice3A_726[0] : f32 from vector<1xf32>
        %mul3A_728 = vector.broadcast %squeeze3A_727 : f32 to vector<16xf32>
        %mul3A_729 = arith.mulf %get3A_725, %mul3A_728 : vector<16xf32>
        %swap3A_730 = arith.index_cast %add3A_721 : i32 to index
        %swap3A_731 = arith.constant 0 : index
        %swap3A_732 = tpu.vector_load %arg10[%swap3A_730, %swap3A_731] {strides = array<i32>} : memref<256x32xf32, #tpu.memory_space<vmem>>, vector<1x16xf32>,
        %swap3A_733 = vector.shape_cast %swap3A_732 : vector<1x16xf32> to vector<16xf32>
        %swap3A_734 = vector.shape_cast %mul3A_729 : vector<16xf32> to vector<1x16xf32>
        tpu.vector_store %arg10[%swap3A_730, %swap3A_731], %swap3A_734 {strides = array<i32>} : memref<256x32xf32, #tpu.memory_space<vmem>>, vector<1x16xf32>,
        %get3A_735 = arith.index_cast %add3A_721 : i32 to index
        %get3A_736 = arith.constant 16 : index
        %get3A_737 = tpu.vector_load %arg10[%get3A_735, %get3A_736] {strides = array<i32>} : memref<256x32xf32, #tpu.memory_space<vmem>>, vector<1x16xf32>,
        %get3A_738 = vector.shape_cast %get3A_737 : vector<1x16xf32> to vector<16xf32>
        %slice3A_739 = vector.extract_strided_slice %get3A_270 {offsets = [15], sizes = [1], strides = [1]} : vector<16xf32> to vector<1xf32>
        %squeeze3A_740 = vector.extract %slice3A_739[0] : f32 from vector<1xf32>
        %mul3A_741 = vector.broadcast %squeeze3A_740 : f32 to vector<16xf32>
        %mul3A_742 = arith.mulf %get3A_738, %mul3A_741 : vector<16xf32>
        %swap3A_743 = arith.index_cast %add3A_721 : i32 to index
        %swap3A_744 = arith.constant 16 : index
        %swap3A_745 = tpu.vector_load %arg10[%swap3A_743, %swap3A_744] {strides = array<i32>} : memref<256x32xf32, #tpu.memory_space<vmem>>, vector<1x16xf32>,
        %swap3A_746 = vector.shape_cast %swap3A_745 : vector<1x16xf32> to vector<16xf32>
        %swap3A_747 = vector.shape_cast %mul3A_742 : vector<16xf32> to vector<1x16xf32>
        tpu.vector_store %arg10[%swap3A_743, %swap3A_744], %swap3A_747 {strides = array<i32>} : memref<256x32xf32, #tpu.memory_space<vmem>>, vector<1x16xf32>,
      }
      %scan3A_132 = arith.constant 16 : i32
      %dma_start3A_133 = arith.constant 2 : i32
      %dma_start3A_134 = arith.constant 0 : i32
      %dma_start3A_135 = arith.constant 0 : i32
      %dma_start3A_136 = tpu.memref_slice %arg10[%dma_start3A_134, %dma_start3A_135] : memref<256x32xf32, #tpu.memory_space<vmem>> -> memref<128x32xf32, #tpu.memory_space<vmem>>
      %dma_start3A_137 = arith.constant 0 : i32
      %dma_start3A_138 = tpu.memref_slice %arg6[%dma_start3A_133, %dma_start3A_137] : memref<4x128xi32, #tpu.memory_space<vmem>> -> memref<1x128xi32, #tpu.memory_space<vmem>>
      %dma_start3A_139 = tpu.memref_squeeze %dma_start3A_138 : memref<1x128xi32, #tpu.memory_space<vmem>> -> memref<128xi32, #tpu.memory_space<vmem>>
      %dma_start3A_140 = arith.constant 0 : i32
      %dma_start3A_141 = arith.constant 0 : i32
      %dma_start3A_142 = tpu.memref_slice %arg12[%dma_start3A_140, %dma_start3A_141] : memref<50048x32xf32, #tpu.memory_space<vmem_shared>> -> memref<50048x32xf32, #tpu.memory_space<vmem_shared>>
      tpu.enqueue_indirect_dma source(%dma_start3A_136 : memref<128x32xf32, #tpu.memory_space<vmem>>) target(%dma_start3A_142 : memref<50048x32xf32, #tpu.memory_space<vmem_shared>>) offsets(%dma_start3A_139 : memref<128xi32, #tpu.memory_space<vmem>>) semaphore(%arg17 : memref<!tpu.dma_semaphore, #tpu.memory_space<semaphore_mem>>) {add = true}
      %dma_start3A_143 = arith.constant 3 : i32
      %dma_start3A_144 = arith.constant 128 : i32
      %dma_start3A_145 = arith.constant 0 : i32
      %dma_start3A_146 = tpu.memref_slice %arg10[%dma_start3A_144, %dma_start3A_145] : memref<256x32xf32, #tpu.memory_space<vmem>> -> memref<128x32xf32, #tpu.memory_space<vmem>>
      %dma_start3A_147 = arith.constant 0 : i32
      %dma_start3A_148 = tpu.memref_slice %arg6[%dma_start3A_143, %dma_start3A_147] : memref<4x128xi32, #tpu.memory_space<vmem>> -> memref<1x128xi32, #tpu.memory_space<vmem>>
      %dma_start3A_149 = tpu.memref_squeeze %dma_start3A_148 : memref<1x128xi32, #tpu.memory_space<vmem>> -> memref<128xi32, #tpu.memory_space<vmem>>
      %dma_start3A_150 = arith.constant 0 : i32
      %dma_start3A_151 = arith.constant 0 : i32
      %dma_start3A_152 = tpu.memref_slice %arg12[%dma_start3A_150, %dma_start3A_151] : memref<50048x32xf32, #tpu.memory_space<vmem_shared>> -> memref<50048x32xf32, #tpu.memory_space<vmem_shared>>
      tpu.enqueue_indirect_dma source(%dma_start3A_146 : memref<128x32xf32, #tpu.memory_space<vmem>>) target(%dma_start3A_152 : memref<50048x32xf32, #tpu.memory_space<vmem_shared>>) offsets(%dma_start3A_149 : memref<128xi32, #tpu.memory_space<vmem>>) semaphore(%arg17 : memref<!tpu.dma_semaphore, #tpu.memory_space<semaphore_mem>>) {add = true}
      %dma_wait3A_153 = arith.constant 2 : i32
      %dma_wait3A_154 = arith.constant 0 : i32
      %dma_wait3A_155 = arith.constant 0 : i32
      %dma_wait3A_156 = tpu.memref_slice %arg10[%dma_wait3A_154, %dma_wait3A_155] : memref<256x32xf32, #tpu.memory_space<vmem>> -> memref<128x32xf32, #tpu.memory_space<vmem>>
      %dma_wait3A_157 = arith.constant 0 : i32
      %dma_wait3A_158 = tpu.memref_slice %arg6[%dma_wait3A_153, %dma_wait3A_157] : memref<4x128xi32, #tpu.memory_space<vmem>> -> memref<1x128xi32, #tpu.memory_space<vmem>>
      %dma_wait3A_159 = tpu.memref_squeeze %dma_wait3A_158 : memref<1x128xi32, #tpu.memory_space<vmem>> -> memref<128xi32, #tpu.memory_space<vmem>>
      %dma_wait3A_160 = arith.constant 0 : i32
      %dma_wait3A_161 = arith.constant 0 : i32
      %dma_wait3A_162 = tpu.memref_slice %arg12[%dma_wait3A_160, %dma_wait3A_161] : memref<50048x32xf32, #tpu.memory_space<vmem_shared>> -> memref<50048x32xf32, #tpu.memory_space<vmem_shared>>
      tpu.wait_indirect_dma semaphore(%arg17 : memref<!tpu.dma_semaphore, #tpu.memory_space<semaphore_mem>>) src(%dma_wait3A_156 : memref<128x32xf32, #tpu.memory_space<vmem>>) dst(%dma_wait3A_162 : memref<50048x32xf32, #tpu.memory_space<vmem_shared>>)
      %dma_wait3A_163 = arith.constant 3 : i32
      %dma_wait3A_164 = arith.constant 128 : i32
      %dma_wait3A_165 = arith.constant 0 : i32
      %dma_wait3A_166 = tpu.memref_slice %arg10[%dma_wait3A_164, %dma_wait3A_165] : memref<256x32xf32, #tpu.memory_space<vmem>> -> memref<128x32xf32, #tpu.memory_space<vmem>>
      %dma_wait3A_167 = arith.constant 0 : i32
      %dma_wait3A_168 = tpu.memref_slice %arg6[%dma_wait3A_163, %dma_wait3A_167] : memref<4x128xi32, #tpu.memory_space<vmem>> -> memref<1x128xi32, #tpu.memory_space<vmem>>
      %dma_wait3A_169 = tpu.memref_squeeze %dma_wait3A_168 : memref<1x128xi32, #tpu.memory_space<vmem>> -> memref<128xi32, #tpu.memory_space<vmem>>
      %dma_wait3A_170 = arith.constant 0 : i32
      %dma_wait3A_171 = arith.constant 0 : i32
      %dma_wait3A_172 = tpu.memref_slice %arg12[%dma_wait3A_170, %dma_wait3A_171] : memref<50048x32xf32, #tpu.memory_space<vmem_shared>> -> memref<50048x32xf32, #tpu.memory_space<vmem_shared>>
      tpu.wait_indirect_dma semaphore(%arg17 : memref<!tpu.dma_semaphore, #tpu.memory_space<semaphore_mem>>) src(%dma_wait3A_166 : memref<128x32xf32, #tpu.memory_space<vmem>>) dst(%dma_wait3A_172 : memref<50048x32xf32, #tpu.memory_space<vmem_shared>>)
      %lt3A_173 = arith.constant 194 : i32
      %lt3A_174 = arith.cmpi slt, %add3A_96, %lt3A_173 : i32
      %convert_element_type3A_175 = arith.extui %lt3A_174 : i1 to i32
      %cond3A_176 = arith.constant 0 : i32
      %cond3A_177 = arith.cmpi ne, %convert_element_type3A_175, %cond3A_176 : i32
      scf.if %cond3A_177 {
        %add3A_266 = arith.addi %mul3A_11, %add3A_96 : i32
        %add3A_267 = arith.constant 2 : i32
        %add3A_268 = arith.addi %add3A_266, %add3A_267 : i32
        %dma_start3A_269 = arith.constant 0 : i32
        %dma_start3A_270 = arith.constant 0 : i32
        %dma_start3A_271 = tpu.memref_slice %arg3[%add3A_268, %dma_start3A_269, %dma_start3A_270] : memref<3136x4x128xi32, #tpu.memory_space<hbm>> -> memref<1x4x128xi32, #tpu.memory_space<hbm>>
        %dma_start3A_272 = tpu.memref_squeeze %dma_start3A_271 : memref<1x4x128xi32, #tpu.memory_space<hbm>> -> memref<4x128xi32, #tpu.memory_space<hbm>>
        %dma_start3A_273 = arith.constant 0 : i32
        %dma_start3A_274 = arith.constant 0 : i32
        %dma_start3A_275 = tpu.memref_slice %arg3[%add3A_268, %dma_start3A_273, %dma_start3A_274] : memref<3136x4x128xi32, #tpu.memory_space<hbm>> -> memref<1x4x128xi32, #tpu.memory_space<hbm>>
        %dma_start3A_276 = tpu.memref_squeeze %dma_start3A_275 : memref<1x4x128xi32, #tpu.memory_space<hbm>> -> memref<4x128xi32, #tpu.memory_space<hbm>>
        tpu.enqueue_dma source(%dma_start3A_276 : memref<4x128xi32, #tpu.memory_space<hbm>>) target(%arg6 : memref<4x128xi32, #tpu.memory_space<vmem>>) target_semaphore(%arg13 : memref<!tpu.dma_semaphore, #tpu.memory_space<semaphore_mem>>)
        %dma_start3A_277 = arith.constant 0 : i32
        %dma_start3A_278 = tpu.memref_slice %arg4[%add3A_268, %dma_start3A_277] : memref<3136x256xf32, #tpu.memory_space<hbm>> -> memref<1x256xf32, #tpu.memory_space<hbm>>
        %dma_start3A_279 = tpu.memref_squeeze %dma_start3A_278 : memref<1x256xf32, #tpu.memory_space<hbm>> -> memref<256xf32, #tpu.memory_space<hbm>>
        %dma_start3A_280 = arith.constant 0 : i32
        %dma_start3A_281 = tpu.memref_slice %arg4[%add3A_268, %dma_start3A_280] : memref<3136x256xf32, #tpu.memory_space<hbm>> -> memref<1x256xf32, #tpu.memory_space<hbm>>
        %dma_start3A_282 = tpu.memref_squeeze %dma_start3A_281 : memref<1x256xf32, #tpu.memory_space<hbm>> -> memref<256xf32, #tpu.memory_space<hbm>>
        tpu.enqueue_dma source(%dma_start3A_282 : memref<256xf32, #tpu.memory_space<hbm>>) target(%arg8 : memref<256xf32, #tpu.memory_space<vmem>>) target_semaphore(%arg13 : memref<!tpu.dma_semaphore, #tpu.memory_space<semaphore_mem>>)
      } else {
      }
      %mul3A_178 = arith.constant 2 : i32
      %mul3A_179 = arith.muli %mul3A_178, %scan3A_92 : i32
      %add3A_180 = arith.constant 1 : i32
      %add3A_181 = arith.addi %mul3A_179, %add3A_180 : i32
      %lt3A_182 = arith.constant 195 : i32
      %lt3A_183 = arith.cmpi slt, %add3A_181, %lt3A_182 : i32
      %convert_element_type3A_184 = arith.extui %lt3A_183 : i1 to i32
      %cond3A_185 = arith.constant 0 : i32
      %cond3A_186 = arith.cmpi ne, %convert_element_type3A_184, %cond3A_185 : i32
      scf.if %cond3A_186 {
        %add3A_266 = arith.addi %mul3A_11, %add3A_181 : i32
        %add3A_267 = arith.constant 1 : i32
        %add3A_268 = arith.addi %add3A_266, %add3A_267 : i32
        %dma_wait3A_269 = arith.constant 0 : i32
        %dma_wait3A_270 = arith.constant 0 : i32
        %dma_wait3A_271 = tpu.memref_slice %arg3[%add3A_268, %dma_wait3A_269, %dma_wait3A_270] : memref<3136x4x128xi32, #tpu.memory_space<hbm>> -> memref<1x4x128xi32, #tpu.memory_space<hbm>>
        %dma_wait3A_272 = tpu.memref_squeeze %dma_wait3A_271 : memref<1x4x128xi32, #tpu.memory_space<hbm>> -> memref<4x128xi32, #tpu.memory_space<hbm>>
        %dma_wait3A_273 = arith.constant 0 : i32
        %dma_wait3A_274 = arith.constant 0 : i32
        %dma_wait3A_275 = tpu.memref_slice %arg3[%add3A_268, %dma_wait3A_273, %dma_wait3A_274] : memref<3136x4x128xi32, #tpu.memory_space<hbm>> -> memref<1x4x128xi32, #tpu.memory_space<hbm>>
        %dma_wait3A_276 = tpu.memref_squeeze %dma_wait3A_275 : memref<1x4x128xi32, #tpu.memory_space<hbm>> -> memref<4x128xi32, #tpu.memory_space<hbm>>
        tpu.wait_dma2 semaphore(%arg13 : memref<!tpu.dma_semaphore, #tpu.memory_space<semaphore_mem>>) src(%dma_wait3A_276 : memref<4x128xi32, #tpu.memory_space<hbm>>) dst(%arg6 : memref<4x128xi32, #tpu.memory_space<vmem>>)
        %dma_wait3A_277 = arith.constant 0 : i32
        %dma_wait3A_278 = tpu.memref_slice %arg4[%add3A_268, %dma_wait3A_277] : memref<3136x256xf32, #tpu.memory_space<hbm>> -> memref<1x256xf32, #tpu.memory_space<hbm>>
        %dma_wait3A_279 = tpu.memref_squeeze %dma_wait3A_278 : memref<1x256xf32, #tpu.memory_space<hbm>> -> memref<256xf32, #tpu.memory_space<hbm>>
        %dma_wait3A_280 = arith.constant 0 : i32
        %dma_wait3A_281 = tpu.memref_slice %arg4[%add3A_268, %dma_wait3A_280] : memref<3136x256xf32, #tpu.memory_space<hbm>> -> memref<1x256xf32, #tpu.memory_space<hbm>>
        %dma_wait3A_282 = tpu.memref_squeeze %dma_wait3A_281 : memref<1x256xf32, #tpu.memory_space<hbm>> -> memref<256xf32, #tpu.memory_space<hbm>>
        tpu.wait_dma2 semaphore(%arg13 : memref<!tpu.dma_semaphore, #tpu.memory_space<semaphore_mem>>) src(%dma_wait3A_282 : memref<256xf32, #tpu.memory_space<hbm>>) dst(%arg8 : memref<256xf32, #tpu.memory_space<vmem>>)
        %dma_start3A_283 = arith.constant 0 : i32
        %dma_start3A_284 = arith.constant 0 : i32
        %dma_start3A_285 = arith.constant 0 : i32
        %dma_start3A_286 = tpu.memref_slice %arg10[%dma_start3A_284, %dma_start3A_285] : memref<256x32xf32, #tpu.memory_space<vmem>> -> memref<128x32xf32, #tpu.memory_space<vmem>>
        %dma_start3A_287 = arith.constant 0 : i32
        %dma_start3A_288 = tpu.memref_slice %arg6[%dma_start3A_283, %dma_start3A_287] : memref<4x128xi32, #tpu.memory_space<vmem>> -> memref<1x128xi32, #tpu.memory_space<vmem>>
        %dma_start3A_289 = tpu.memref_squeeze %dma_start3A_288 : memref<1x128xi32, #tpu.memory_space<vmem>> -> memref<128xi32, #tpu.memory_space<vmem>>
        %dma_start3A_290 = arith.constant 0 : i32
        %dma_start3A_291 = arith.constant 0 : i32
        %dma_start3A_292 = tpu.memref_slice %arg2[%arg0, %dma_start3A_290, %dma_start3A_291] : memref<2x50048x32xf32, #tpu.memory_space<hbm>> -> memref<1x50048x32xf32, #tpu.memory_space<hbm>>
        %dma_start3A_293 = tpu.memref_squeeze %dma_start3A_292 : memref<1x50048x32xf32, #tpu.memory_space<hbm>> -> memref<50048x32xf32, #tpu.memory_space<hbm>>
        %dma_start3A_294 = arith.constant 0 : i32
        %dma_start3A_295 = arith.constant 0 : i32
        %dma_start3A_296 = tpu.memref_slice %dma_start3A_293[%dma_start3A_294, %dma_start3A_295] : memref<50048x32xf32, #tpu.memory_space<hbm>> -> memref<50048x32xf32, #tpu.memory_space<hbm>>
        tpu.enqueue_indirect_dma source(%dma_start3A_296 : memref<50048x32xf32, #tpu.memory_space<hbm>>) target(%dma_start3A_286 : memref<128x32xf32, #tpu.memory_space<vmem>>) offsets(%dma_start3A_289 : memref<128xi32, #tpu.memory_space<vmem>>) semaphore(%arg15 : memref<!tpu.dma_semaphore, #tpu.memory_space<semaphore_mem>>)
        %dma_start3A_297 = arith.constant 1 : i32
        %dma_start3A_298 = arith.constant 128 : i32
        %dma_start3A_299 = arith.constant 0 : i32
        %dma_start3A_300 = tpu.memref_slice %arg10[%dma_start3A_298, %dma_start3A_299] : memref<256x32xf32, #tpu.memory_space<vmem>> -> memref<128x32xf32, #tpu.memory_space<vmem>>
        %dma_start3A_301 = arith.constant 0 : i32
        %dma_start3A_302 = tpu.memref_slice %arg6[%dma_start3A_297, %dma_start3A_301] : memref<4x128xi32, #tpu.memory_space<vmem>> -> memref<1x128xi32, #tpu.memory_space<vmem>>
        %dma_start3A_303 = tpu.memref_squeeze %dma_start3A_302 : memref<1x128xi32, #tpu.memory_space<vmem>> -> memref<128xi32, #tpu.memory_space<vmem>>
        %dma_start3A_304 = arith.constant 0 : i32
        %dma_start3A_305 = arith.constant 0 : i32
        %dma_start3A_306 = tpu.memref_slice %arg2[%arg0, %dma_start3A_304, %dma_start3A_305] : memref<2x50048x32xf32, #tpu.memory_space<hbm>> -> memref<1x50048x32xf32, #tpu.memory_space<hbm>>
        %dma_start3A_307 = tpu.memref_squeeze %dma_start3A_306 : memref<1x50048x32xf32, #tpu.memory_space<hbm>> -> memref<50048x32xf32, #tpu.memory_space<hbm>>
        %dma_start3A_308 = arith.constant 0 : i32
        %dma_start3A_309 = arith.constant 0 : i32
        %dma_start3A_310 = tpu.memref_slice %dma_start3A_307[%dma_start3A_308, %dma_start3A_309] : memref<50048x32xf32, #tpu.memory_space<hbm>> -> memref<50048x32xf32, #tpu.memory_space<hbm>>
        tpu.enqueue_indirect_dma source(%dma_start3A_310 : memref<50048x32xf32, #tpu.memory_space<hbm>>) target(%dma_start3A_300 : memref<128x32xf32, #tpu.memory_space<vmem>>) offsets(%dma_start3A_303 : memref<128xi32, #tpu.memory_space<vmem>>) semaphore(%arg15 : memref<!tpu.dma_semaphore, #tpu.memory_space<semaphore_mem>>)
      } else {
      }
      %dma_wait3A_187 = arith.constant 0 : i32
      %dma_wait3A_188 = arith.constant 0 : i32
      %dma_wait3A_189 = arith.constant 0 : i32
      %dma_wait3A_190 = tpu.memref_slice %arg11[%dma_wait3A_188, %dma_wait3A_189] : memref<256x32xf32, #tpu.memory_space<vmem>> -> memref<128x32xf32, #tpu.memory_space<vmem>>
      %dma_wait3A_191 = arith.constant 0 : i32
      %dma_wait3A_192 = tpu.memref_slice %arg7[%dma_wait3A_187, %dma_wait3A_191] : memref<4x128xi32, #tpu.memory_space<vmem>> -> memref<1x128xi32, #tpu.memory_space<vmem>>
      %dma_wait3A_193 = tpu.memref_squeeze %dma_wait3A_192 : memref<1x128xi32, #tpu.memory_space<vmem>> -> memref<128xi32, #tpu.memory_space<vmem>>
      %dma_wait3A_194 = arith.constant 0 : i32
      %dma_wait3A_195 = arith.constant 0 : i32
      %dma_wait3A_196 = tpu.memref_slice %arg2[%arg0, %dma_wait3A_194, %dma_wait3A_195] : memref<2x50048x32xf32, #tpu.memory_space<hbm>> -> memref<1x50048x32xf32, #tpu.memory_space<hbm>>
      %dma_wait3A_197 = tpu.memref_squeeze %dma_wait3A_196 : memref<1x50048x32xf32, #tpu.memory_space<hbm>> -> memref<50048x32xf32, #tpu.memory_space<hbm>>
      %dma_wait3A_198 = arith.constant 0 : i32
      %dma_wait3A_199 = arith.constant 0 : i32
      %dma_wait3A_200 = tpu.memref_slice %dma_wait3A_197[%dma_wait3A_198, %dma_wait3A_199] : memref<50048x32xf32, #tpu.memory_space<hbm>> -> memref<50048x32xf32, #tpu.memory_space<hbm>>
      tpu.wait_indirect_dma semaphore(%arg16 : memref<!tpu.dma_semaphore, #tpu.memory_space<semaphore_mem>>) src(%dma_wait3A_200 : memref<50048x32xf32, #tpu.memory_space<hbm>>) dst(%dma_wait3A_190 : memref<128x32xf32, #tpu.memory_space<vmem>>)
      %dma_wait3A_201 = arith.constant 1 : i32
      %dma_wait3A_202 = arith.constant 128 : i32
      %dma_wait3A_203 = arith.constant 0 : i32
      %dma_wait3A_204 = tpu.memref_slice %arg11[%dma_wait3A_202, %dma_wait3A_203] : memref<256x32xf32, #tpu.memory_space<vmem>> -> memref<128x32xf32, #tpu.memory_space<vmem>>
      %dma_wait3A_205 = arith.constant 0 : i32
      %dma_wait3A_206 = tpu.memref_slice %arg7[%dma_wait3A_201, %dma_wait3A_205] : memref<4x128xi32, #tpu.memory_space<vmem>> -> memref<1x128xi32, #tpu.memory_space<vmem>>
      %dma_wait3A_207 = tpu.memref_squeeze %dma_wait3A_206 : memref<1x128xi32, #tpu.memory_space<vmem>> -> memref<128xi32, #tpu.memory_space<vmem>>
      %dma_wait3A_208 = arith.constant 0 : i32
      %dma_wait3A_209 = arith.constant 0 : i32
      %dma_wait3A_210 = tpu.memref_slice %arg2[%arg0, %dma_wait3A_208, %dma_wait3A_209] : memref<2x50048x32xf32, #tpu.memory_space<hbm>> -> memref<1x50048x32xf32, #tpu.memory_space<hbm>>
      %dma_wait3A_211 = tpu.memref_squeeze %dma_wait3A_210 : memref<1x50048x32xf32, #tpu.memory_space<hbm>> -> memref<50048x32xf32, #tpu.memory_space<hbm>>
      %dma_wait3A_212 = arith.constant 0 : i32
      %dma_wait3A_213 = arith.constant 0 : i32
      %dma_wait3A_214 = tpu.memref_slice %dma_wait3A_211[%dma_wait3A_212, %dma_wait3A_213] : memref<50048x32xf32, #tpu.memory_space<hbm>> -> memref<50048x32xf32, #tpu.memory_space<hbm>>
      tpu.wait_indirect_dma semaphore(%arg16 : memref<!tpu.dma_semaphore, #tpu.memory_space<semaphore_mem>>) src(%dma_wait3A_214 : memref<50048x32xf32, #tpu.memory_space<hbm>>) dst(%dma_wait3A_204 : memref<128x32xf32, #tpu.memory_space<vmem>>)
      %scan3A_215 = arith.constant 0 : i32
      %scan3A_216 = arith.constant 0 : i32
      %scan3A_217 = arith.constant 16 : i32
      %scan3A_218 = arith.addi %scan3A_216, %scan3A_217 : i32
      %scan3A_219 = arith.constant 1 : i32
      scf.for %scan3A_266 = %scan3A_216 to %scan3A_218 step %scan3A_219  : i32 {
        %mul3A_267 = arith.constant 16 : i32
        %mul3A_268 = arith.muli %scan3A_266, %mul3A_267 : i32
        %get3A = arith.index_cast %mul3A_268 : i32 to index
        %get3A_269 = tpu.vector_load %arg9[%get3A] {strides = array<i32>} : memref<256xf32, #tpu.memory_space<vmem>>, vector<16xf32>,
        %get3A_270 = vector.shape_cast %get3A_269 : vector<16xf32> to vector<16xf32>
        %mul3A_271 = arith.constant 16 : i32
        %mul3A_272 = arith.muli %scan3A_266, %mul3A_271 : i32
        %add3A_273 = arith.constant 0 : i32
        %add3A_274 = arith.addi %mul3A_272, %add3A_273 : i32
        %get3A_275 = arith.index_cast %add3A_274 : i32 to index
        %get3A_276 = arith.constant 0 : index
        %get3A_277 = tpu.vector_load %arg11[%get3A_275, %get3A_276] {strides = array<i32>} : memref<256x32xf32, #tpu.memory_space<vmem>>, vector<1x16xf32>,
        %get3A_278 = vector.shape_cast %get3A_277 : vector<1x16xf32> to vector<16xf32>
        %slice3A = vector.extract_strided_slice %get3A_270 {offsets = [0], sizes = [1], strides = [1]} : vector<16xf32> to vector<1xf32>
        %squeeze3A = vector.extract %slice3A[0] : f32 from vector<1xf32>
        %mul3A_279 = vector.broadcast %squeeze3A : f32 to vector<16xf32>
        %mul3A_280 = arith.mulf %get3A_278, %mul3A_279 : vector<16xf32>
        %swap3A = arith.index_cast %add3A_274 : i32 to index
        %swap3A_281 = arith.constant 0 : index
        %swap3A_282 = tpu.vector_load %arg11[%swap3A, %swap3A_281] {strides = array<i32>} : memref<256x32xf32, #tpu.memory_space<vmem>>, vector<1x16xf32>,
        %swap3A_283 = vector.shape_cast %swap3A_282 : vector<1x16xf32> to vector<16xf32>
        %swap3A_284 = vector.shape_cast %mul3A_280 : vector<16xf32> to vector<1x16xf32>
        tpu.vector_store %arg11[%swap3A, %swap3A_281], %swap3A_284 {strides = array<i32>} : memref<256x32xf32, #tpu.memory_space<vmem>>, vector<1x16xf32>,
        %get3A_285 = arith.index_cast %add3A_274 : i32 to index
        %get3A_286 = arith.constant 16 : index
        %get3A_287 = tpu.vector_load %arg11[%get3A_285, %get3A_286] {strides = array<i32>} : memref<256x32xf32, #tpu.memory_space<vmem>>, vector<1x16xf32>,
        %get3A_288 = vector.shape_cast %get3A_287 : vector<1x16xf32> to vector<16xf32>
        %slice3A_289 = vector.extract_strided_slice %get3A_270 {offsets = [0], sizes = [1], strides = [1]} : vector<16xf32> to vector<1xf32>
        %squeeze3A_290 = vector.extract %slice3A_289[0] : f32 from vector<1xf32>
        %mul3A_291 = vector.broadcast %squeeze3A_290 : f32 to vector<16xf32>
        %mul3A_292 = arith.mulf %get3A_288, %mul3A_291 : vector<16xf32>
        %swap3A_293 = arith.index_cast %add3A_274 : i32 to index
        %swap3A_294 = arith.constant 16 : index
        %swap3A_295 = tpu.vector_load %arg11[%swap3A_293, %swap3A_294] {strides = array<i32>} : memref<256x32xf32, #tpu.memory_space<vmem>>, vector<1x16xf32>,
        %swap3A_296 = vector.shape_cast %swap3A_295 : vector<1x16xf32> to vector<16xf32>
        %swap3A_297 = vector.shape_cast %mul3A_292 : vector<16xf32> to vector<1x16xf32>
        tpu.vector_store %arg11[%swap3A_293, %swap3A_294], %swap3A_297 {strides = array<i32>} : memref<256x32xf32, #tpu.memory_space<vmem>>, vector<1x16xf32>,
        %mul3A_298 = arith.constant 16 : i32
        %mul3A_299 = arith.muli %scan3A_266, %mul3A_298 : i32
        %add3A_300 = arith.constant 1 : i32
        %add3A_301 = arith.addi %mul3A_299, %add3A_300 : i32
        %get3A_302 = arith.index_cast %add3A_301 : i32 to index
        %get3A_303 = arith.constant 0 : index
        %get3A_304 = tpu.vector_load %arg11[%get3A_302, %get3A_303] {strides = array<i32>} : memref<256x32xf32, #tpu.memory_space<vmem>>, vector<1x16xf32>,
        %get3A_305 = vector.shape_cast %get3A_304 : vector<1x16xf32> to vector<16xf32>
        %slice3A_306 = vector.extract_strided_slice %get3A_270 {offsets = [1], sizes = [1], strides = [1]} : vector<16xf32> to vector<1xf32>
        %squeeze3A_307 = vector.extract %slice3A_306[0] : f32 from vector<1xf32>
        %mul3A_308 = vector.broadcast %squeeze3A_307 : f32 to vector<16xf32>
        %mul3A_309 = arith.mulf %get3A_305, %mul3A_308 : vector<16xf32>
        %swap3A_310 = arith.index_cast %add3A_301 : i32 to index
        %swap3A_311 = arith.constant 0 : index
        %swap3A_312 = tpu.vector_load %arg11[%swap3A_310, %swap3A_311] {strides = array<i32>} : memref<256x32xf32, #tpu.memory_space<vmem>>, vector<1x16xf32>,
        %swap3A_313 = vector.shape_cast %swap3A_312 : vector<1x16xf32> to vector<16xf32>
        %swap3A_314 = vector.shape_cast %mul3A_309 : vector<16xf32> to vector<1x16xf32>
        tpu.vector_store %arg11[%swap3A_310, %swap3A_311], %swap3A_314 {strides = array<i32>} : memref<256x32xf32, #tpu.memory_space<vmem>>, vector<1x16xf32>,
        %get3A_315 = arith.index_cast %add3A_301 : i32 to index
        %get3A_316 = arith.constant 16 : index
        %get3A_317 = tpu.vector_load %arg11[%get3A_315, %get3A_316] {strides = array<i32>} : memref<256x32xf32, #tpu.memory_space<vmem>>, vector<1x16xf32>,
        %get3A_318 = vector.shape_cast %get3A_317 : vector<1x16xf32> to vector<16xf32>
        %slice3A_319 = vector.extract_strided_slice %get3A_270 {offsets = [1], sizes = [1], strides = [1]} : vector<16xf32> to vector<1xf32>
        %squeeze3A_320 = vector.extract %slice3A_319[0] : f32 from vector<1xf32>
        %mul3A_321 = vector.broadcast %squeeze3A_320 : f32 to vector<16xf32>
        %mul3A_322 = arith.mulf %get3A_318, %mul3A_321 : vector<16xf32>
        %swap3A_323 = arith.index_cast %add3A_301 : i32 to index
        %swap3A_324 = arith.constant 16 : index
        %swap3A_325 = tpu.vector_load %arg11[%swap3A_323, %swap3A_324] {strides = array<i32>} : memref<256x32xf32, #tpu.memory_space<vmem>>, vector<1x16xf32>,
        %swap3A_326 = vector.shape_cast %swap3A_325 : vector<1x16xf32> to vector<16xf32>
        %swap3A_327 = vector.shape_cast %mul3A_322 : vector<16xf32> to vector<1x16xf32>
        tpu.vector_store %arg11[%swap3A_323, %swap3A_324], %swap3A_327 {strides = array<i32>} : memref<256x32xf32, #tpu.memory_space<vmem>>, vector<1x16xf32>,
        %mul3A_328 = arith.constant 16 : i32
        %mul3A_329 = arith.muli %scan3A_266, %mul3A_328 : i32
        %add3A_330 = arith.constant 2 : i32
        %add3A_331 = arith.addi %mul3A_329, %add3A_330 : i32
        %get3A_332 = arith.index_cast %add3A_331 : i32 to index
        %get3A_333 = arith.constant 0 : index
        %get3A_334 = tpu.vector_load %arg11[%get3A_332, %get3A_333] {strides = array<i32>} : memref<256x32xf32, #tpu.memory_space<vmem>>, vector<1x16xf32>,
        %get3A_335 = vector.shape_cast %get3A_334 : vector<1x16xf32> to vector<16xf32>
        %slice3A_336 = vector.extract_strided_slice %get3A_270 {offsets = [2], sizes = [1], strides = [1]} : vector<16xf32> to vector<1xf32>
        %squeeze3A_337 = vector.extract %slice3A_336[0] : f32 from vector<1xf32>
        %mul3A_338 = vector.broadcast %squeeze3A_337 : f32 to vector<16xf32>
        %mul3A_339 = arith.mulf %get3A_335, %mul3A_338 : vector<16xf32>
        %swap3A_340 = arith.index_cast %add3A_331 : i32 to index
        %swap3A_341 = arith.constant 0 : index
        %swap3A_342 = tpu.vector_load %arg11[%swap3A_340, %swap3A_341] {strides = array<i32>} : memref<256x32xf32, #tpu.memory_space<vmem>>, vector<1x16xf32>,
        %swap3A_343 = vector.shape_cast %swap3A_342 : vector<1x16xf32> to vector<16xf32>
        %swap3A_344 = vector.shape_cast %mul3A_339 : vector<16xf32> to vector<1x16xf32>
        tpu.vector_store %arg11[%swap3A_340, %swap3A_341], %swap3A_344 {strides = array<i32>} : memref<256x32xf32, #tpu.memory_space<vmem>>, vector<1x16xf32>,
        %get3A_345 = arith.index_cast %add3A_331 : i32 to index
        %get3A_346 = arith.constant 16 : index
        %get3A_347 = tpu.vector_load %arg11[%get3A_345, %get3A_346] {strides = array<i32>} : memref<256x32xf32, #tpu.memory_space<vmem>>, vector<1x16xf32>,
        %get3A_348 = vector.shape_cast %get3A_347 : vector<1x16xf32> to vector<16xf32>
        %slice3A_349 = vector.extract_strided_slice %get3A_270 {offsets = [2], sizes = [1], strides = [1]} : vector<16xf32> to vector<1xf32>
        %squeeze3A_350 = vector.extract %slice3A_349[0] : f32 from vector<1xf32>
        %mul3A_351 = vector.broadcast %squeeze3A_350 : f32 to vector<16xf32>
        %mul3A_352 = arith.mulf %get3A_348, %mul3A_351 : vector<16xf32>
        %swap3A_353 = arith.index_cast %add3A_331 : i32 to index
        %swap3A_354 = arith.constant 16 : index
        %swap3A_355 = tpu.vector_load %arg11[%swap3A_353, %swap3A_354] {strides = array<i32>} : memref<256x32xf32, #tpu.memory_space<vmem>>, vector<1x16xf32>,
        %swap3A_356 = vector.shape_cast %swap3A_355 : vector<1x16xf32> to vector<16xf32>
        %swap3A_357 = vector.shape_cast %mul3A_352 : vector<16xf32> to vector<1x16xf32>
        tpu.vector_store %arg11[%swap3A_353, %swap3A_354], %swap3A_357 {strides = array<i32>} : memref<256x32xf32, #tpu.memory_space<vmem>>, vector<1x16xf32>,
        %mul3A_358 = arith.constant 16 : i32
        %mul3A_359 = arith.muli %scan3A_266, %mul3A_358 : i32
        %add3A_360 = arith.constant 3 : i32
        %add3A_361 = arith.addi %mul3A_359, %add3A_360 : i32
        %get3A_362 = arith.index_cast %add3A_361 : i32 to index
        %get3A_363 = arith.constant 0 : index
        %get3A_364 = tpu.vector_load %arg11[%get3A_362, %get3A_363] {strides = array<i32>} : memref<256x32xf32, #tpu.memory_space<vmem>>, vector<1x16xf32>,
        %get3A_365 = vector.shape_cast %get3A_364 : vector<1x16xf32> to vector<16xf32>
        %slice3A_366 = vector.extract_strided_slice %get3A_270 {offsets = [3], sizes = [1], strides = [1]} : vector<16xf32> to vector<1xf32>
        %squeeze3A_367 = vector.extract %slice3A_366[0] : f32 from vector<1xf32>
        %mul3A_368 = vector.broadcast %squeeze3A_367 : f32 to vector<16xf32>
        %mul3A_369 = arith.mulf %get3A_365, %mul3A_368 : vector<16xf32>
        %swap3A_370 = arith.index_cast %add3A_361 : i32 to index
        %swap3A_371 = arith.constant 0 : index
        %swap3A_372 = tpu.vector_load %arg11[%swap3A_370, %swap3A_371] {strides = array<i32>} : memref<256x32xf32, #tpu.memory_space<vmem>>, vector<1x16xf32>,
        %swap3A_373 = vector.shape_cast %swap3A_372 : vector<1x16xf32> to vector<16xf32>
        %swap3A_374 = vector.shape_cast %mul3A_369 : vector<16xf32> to vector<1x16xf32>
        tpu.vector_store %arg11[%swap3A_370, %swap3A_371], %swap3A_374 {strides = array<i32>} : memref<256x32xf32, #tpu.memory_space<vmem>>, vector<1x16xf32>,
        %get3A_375 = arith.index_cast %add3A_361 : i32 to index
        %get3A_376 = arith.constant 16 : index
        %get3A_377 = tpu.vector_load %arg11[%get3A_375, %get3A_376] {strides = array<i32>} : memref<256x32xf32, #tpu.memory_space<vmem>>, vector<1x16xf32>,
        %get3A_378 = vector.shape_cast %get3A_377 : vector<1x16xf32> to vector<16xf32>
        %slice3A_379 = vector.extract_strided_slice %get3A_270 {offsets = [3], sizes = [1], strides = [1]} : vector<16xf32> to vector<1xf32>
        %squeeze3A_380 = vector.extract %slice3A_379[0] : f32 from vector<1xf32>
        %mul3A_381 = vector.broadcast %squeeze3A_380 : f32 to vector<16xf32>
        %mul3A_382 = arith.mulf %get3A_378, %mul3A_381 : vector<16xf32>
        %swap3A_383 = arith.index_cast %add3A_361 : i32 to index
        %swap3A_384 = arith.constant 16 : index
        %swap3A_385 = tpu.vector_load %arg11[%swap3A_383, %swap3A_384] {strides = array<i32>} : memref<256x32xf32, #tpu.memory_space<vmem>>, vector<1x16xf32>,
        %swap3A_386 = vector.shape_cast %swap3A_385 : vector<1x16xf32> to vector<16xf32>
        %swap3A_387 = vector.shape_cast %mul3A_382 : vector<16xf32> to vector<1x16xf32>
        tpu.vector_store %arg11[%swap3A_383, %swap3A_384], %swap3A_387 {strides = array<i32>} : memref<256x32xf32, #tpu.memory_space<vmem>>, vector<1x16xf32>,
        %mul3A_388 = arith.constant 16 : i32
        %mul3A_389 = arith.muli %scan3A_266, %mul3A_388 : i32
        %add3A_390 = arith.constant 4 : i32
        %add3A_391 = arith.addi %mul3A_389, %add3A_390 : i32
        %get3A_392 = arith.index_cast %add3A_391 : i32 to index
        %get3A_393 = arith.constant 0 : index
        %get3A_394 = tpu.vector_load %arg11[%get3A_392, %get3A_393] {strides = array<i32>} : memref<256x32xf32, #tpu.memory_space<vmem>>, vector<1x16xf32>,
        %get3A_395 = vector.shape_cast %get3A_394 : vector<1x16xf32> to vector<16xf32>
        %slice3A_396 = vector.extract_strided_slice %get3A_270 {offsets = [4], sizes = [1], strides = [1]} : vector<16xf32> to vector<1xf32>
        %squeeze3A_397 = vector.extract %slice3A_396[0] : f32 from vector<1xf32>
        %mul3A_398 = vector.broadcast %squeeze3A_397 : f32 to vector<16xf32>
        %mul3A_399 = arith.mulf %get3A_395, %mul3A_398 : vector<16xf32>
        %swap3A_400 = arith.index_cast %add3A_391 : i32 to index
        %swap3A_401 = arith.constant 0 : index
        %swap3A_402 = tpu.vector_load %arg11[%swap3A_400, %swap3A_401] {strides = array<i32>} : memref<256x32xf32, #tpu.memory_space<vmem>>, vector<1x16xf32>,
        %swap3A_403 = vector.shape_cast %swap3A_402 : vector<1x16xf32> to vector<16xf32>
        %swap3A_404 = vector.shape_cast %mul3A_399 : vector<16xf32> to vector<1x16xf32>
        tpu.vector_store %arg11[%swap3A_400, %swap3A_401], %swap3A_404 {strides = array<i32>} : memref<256x32xf32, #tpu.memory_space<vmem>>, vector<1x16xf32>,
        %get3A_405 = arith.index_cast %add3A_391 : i32 to index
        %get3A_406 = arith.constant 16 : index
        %get3A_407 = tpu.vector_load %arg11[%get3A_405, %get3A_406] {strides = array<i32>} : memref<256x32xf32, #tpu.memory_space<vmem>>, vector<1x16xf32>,
        %get3A_408 = vector.shape_cast %get3A_407 : vector<1x16xf32> to vector<16xf32>
        %slice3A_409 = vector.extract_strided_slice %get3A_270 {offsets = [4], sizes = [1], strides = [1]} : vector<16xf32> to vector<1xf32>
        %squeeze3A_410 = vector.extract %slice3A_409[0] : f32 from vector<1xf32>
        %mul3A_411 = vector.broadcast %squeeze3A_410 : f32 to vector<16xf32>
        %mul3A_412 = arith.mulf %get3A_408, %mul3A_411 : vector<16xf32>
        %swap3A_413 = arith.index_cast %add3A_391 : i32 to index
        %swap3A_414 = arith.constant 16 : index
        %swap3A_415 = tpu.vector_load %arg11[%swap3A_413, %swap3A_414] {strides = array<i32>} : memref<256x32xf32, #tpu.memory_space<vmem>>, vector<1x16xf32>,
        %swap3A_416 = vector.shape_cast %swap3A_415 : vector<1x16xf32> to vector<16xf32>
        %swap3A_417 = vector.shape_cast %mul3A_412 : vector<16xf32> to vector<1x16xf32>
        tpu.vector_store %arg11[%swap3A_413, %swap3A_414], %swap3A_417 {strides = array<i32>} : memref<256x32xf32, #tpu.memory_space<vmem>>, vector<1x16xf32>,
        %mul3A_418 = arith.constant 16 : i32
        %mul3A_419 = arith.muli %scan3A_266, %mul3A_418 : i32
        %add3A_420 = arith.constant 5 : i32
        %add3A_421 = arith.addi %mul3A_419, %add3A_420 : i32
        %get3A_422 = arith.index_cast %add3A_421 : i32 to index
        %get3A_423 = arith.constant 0 : index
        %get3A_424 = tpu.vector_load %arg11[%get3A_422, %get3A_423] {strides = array<i32>} : memref<256x32xf32, #tpu.memory_space<vmem>>, vector<1x16xf32>,
        %get3A_425 = vector.shape_cast %get3A_424 : vector<1x16xf32> to vector<16xf32>
        %slice3A_426 = vector.extract_strided_slice %get3A_270 {offsets = [5], sizes = [1], strides = [1]} : vector<16xf32> to vector<1xf32>
        %squeeze3A_427 = vector.extract %slice3A_426[0] : f32 from vector<1xf32>
        %mul3A_428 = vector.broadcast %squeeze3A_427 : f32 to vector<16xf32>
        %mul3A_429 = arith.mulf %get3A_425, %mul3A_428 : vector<16xf32>
        %swap3A_430 = arith.index_cast %add3A_421 : i32 to index
        %swap3A_431 = arith.constant 0 : index
        %swap3A_432 = tpu.vector_load %arg11[%swap3A_430, %swap3A_431] {strides = array<i32>} : memref<256x32xf32, #tpu.memory_space<vmem>>, vector<1x16xf32>,
        %swap3A_433 = vector.shape_cast %swap3A_432 : vector<1x16xf32> to vector<16xf32>
        %swap3A_434 = vector.shape_cast %mul3A_429 : vector<16xf32> to vector<1x16xf32>
        tpu.vector_store %arg11[%swap3A_430, %swap3A_431], %swap3A_434 {strides = array<i32>} : memref<256x32xf32, #tpu.memory_space<vmem>>, vector<1x16xf32>,
        %get3A_435 = arith.index_cast %add3A_421 : i32 to index
        %get3A_436 = arith.constant 16 : index
        %get3A_437 = tpu.vector_load %arg11[%get3A_435, %get3A_436] {strides = array<i32>} : memref<256x32xf32, #tpu.memory_space<vmem>>, vector<1x16xf32>,
        %get3A_438 = vector.shape_cast %get3A_437 : vector<1x16xf32> to vector<16xf32>
        %slice3A_439 = vector.extract_strided_slice %get3A_270 {offsets = [5], sizes = [1], strides = [1]} : vector<16xf32> to vector<1xf32>
        %squeeze3A_440 = vector.extract %slice3A_439[0] : f32 from vector<1xf32>
        %mul3A_441 = vector.broadcast %squeeze3A_440 : f32 to vector<16xf32>
        %mul3A_442 = arith.mulf %get3A_438, %mul3A_441 : vector<16xf32>
        %swap3A_443 = arith.index_cast %add3A_421 : i32 to index
        %swap3A_444 = arith.constant 16 : index
        %swap3A_445 = tpu.vector_load %arg11[%swap3A_443, %swap3A_444] {strides = array<i32>} : memref<256x32xf32, #tpu.memory_space<vmem>>, vector<1x16xf32>,
        %swap3A_446 = vector.shape_cast %swap3A_445 : vector<1x16xf32> to vector<16xf32>
        %swap3A_447 = vector.shape_cast %mul3A_442 : vector<16xf32> to vector<1x16xf32>
        tpu.vector_store %arg11[%swap3A_443, %swap3A_444], %swap3A_447 {strides = array<i32>} : memref<256x32xf32, #tpu.memory_space<vmem>>, vector<1x16xf32>,
        %mul3A_448 = arith.constant 16 : i32
        %mul3A_449 = arith.muli %scan3A_266, %mul3A_448 : i32
        %add3A_450 = arith.constant 6 : i32
        %add3A_451 = arith.addi %mul3A_449, %add3A_450 : i32
        %get3A_452 = arith.index_cast %add3A_451 : i32 to index
        %get3A_453 = arith.constant 0 : index
        %get3A_454 = tpu.vector_load %arg11[%get3A_452, %get3A_453] {strides = array<i32>} : memref<256x32xf32, #tpu.memory_space<vmem>>, vector<1x16xf32>,
        %get3A_455 = vector.shape_cast %get3A_454 : vector<1x16xf32> to vector<16xf32>
        %slice3A_456 = vector.extract_strided_slice %get3A_270 {offsets = [6], sizes = [1], strides = [1]} : vector<16xf32> to vector<1xf32>
        %squeeze3A_457 = vector.extract %slice3A_456[0] : f32 from vector<1xf32>
        %mul3A_458 = vector.broadcast %squeeze3A_457 : f32 to vector<16xf32>
        %mul3A_459 = arith.mulf %get3A_455, %mul3A_458 : vector<16xf32>
        %swap3A_460 = arith.index_cast %add3A_451 : i32 to index
        %swap3A_461 = arith.constant 0 : index
        %swap3A_462 = tpu.vector_load %arg11[%swap3A_460, %swap3A_461] {strides = array<i32>} : memref<256x32xf32, #tpu.memory_space<vmem>>, vector<1x16xf32>,
        %swap3A_463 = vector.shape_cast %swap3A_462 : vector<1x16xf32> to vector<16xf32>
        %swap3A_464 = vector.shape_cast %mul3A_459 : vector<16xf32> to vector<1x16xf32>
        tpu.vector_store %arg11[%swap3A_460, %swap3A_461], %swap3A_464 {strides = array<i32>} : memref<256x32xf32, #tpu.memory_space<vmem>>, vector<1x16xf32>,
        %get3A_465 = arith.index_cast %add3A_451 : i32 to index
        %get3A_466 = arith.constant 16 : index
        %get3A_467 = tpu.vector_load %arg11[%get3A_465, %get3A_466] {strides = array<i32>} : memref<256x32xf32, #tpu.memory_space<vmem>>, vector<1x16xf32>,
        %get3A_468 = vector.shape_cast %get3A_467 : vector<1x16xf32> to vector<16xf32>
        %slice3A_469 = vector.extract_strided_slice %get3A_270 {offsets = [6], sizes = [1], strides = [1]} : vector<16xf32> to vector<1xf32>
        %squeeze3A_470 = vector.extract %slice3A_469[0] : f32 from vector<1xf32>
        %mul3A_471 = vector.broadcast %squeeze3A_470 : f32 to vector<16xf32>
        %mul3A_472 = arith.mulf %get3A_468, %mul3A_471 : vector<16xf32>
        %swap3A_473 = arith.index_cast %add3A_451 : i32 to index
        %swap3A_474 = arith.constant 16 : index
        %swap3A_475 = tpu.vector_load %arg11[%swap3A_473, %swap3A_474] {strides = array<i32>} : memref<256x32xf32, #tpu.memory_space<vmem>>, vector<1x16xf32>,
        %swap3A_476 = vector.shape_cast %swap3A_475 : vector<1x16xf32> to vector<16xf32>
        %swap3A_477 = vector.shape_cast %mul3A_472 : vector<16xf32> to vector<1x16xf32>
        tpu.vector_store %arg11[%swap3A_473, %swap3A_474], %swap3A_477 {strides = array<i32>} : memref<256x32xf32, #tpu.memory_space<vmem>>, vector<1x16xf32>,
        %mul3A_478 = arith.constant 16 : i32
        %mul3A_479 = arith.muli %scan3A_266, %mul3A_478 : i32
        %add3A_480 = arith.constant 7 : i32
        %add3A_481 = arith.addi %mul3A_479, %add3A_480 : i32
        %get3A_482 = arith.index_cast %add3A_481 : i32 to index
        %get3A_483 = arith.constant 0 : index
        %get3A_484 = tpu.vector_load %arg11[%get3A_482, %get3A_483] {strides = array<i32>} : memref<256x32xf32, #tpu.memory_space<vmem>>, vector<1x16xf32>,
        %get3A_485 = vector.shape_cast %get3A_484 : vector<1x16xf32> to vector<16xf32>
        %slice3A_486 = vector.extract_strided_slice %get3A_270 {offsets = [7], sizes = [1], strides = [1]} : vector<16xf32> to vector<1xf32>
        %squeeze3A_487 = vector.extract %slice3A_486[0] : f32 from vector<1xf32>
        %mul3A_488 = vector.broadcast %squeeze3A_487 : f32 to vector<16xf32>
        %mul3A_489 = arith.mulf %get3A_485, %mul3A_488 : vector<16xf32>
        %swap3A_490 = arith.index_cast %add3A_481 : i32 to index
        %swap3A_491 = arith.constant 0 : index
        %swap3A_492 = tpu.vector_load %arg11[%swap3A_490, %swap3A_491] {strides = array<i32>} : memref<256x32xf32, #tpu.memory_space<vmem>>, vector<1x16xf32>,
        %swap3A_493 = vector.shape_cast %swap3A_492 : vector<1x16xf32> to vector<16xf32>
        %swap3A_494 = vector.shape_cast %mul3A_489 : vector<16xf32> to vector<1x16xf32>
        tpu.vector_store %arg11[%swap3A_490, %swap3A_491], %swap3A_494 {strides = array<i32>} : memref<256x32xf32, #tpu.memory_space<vmem>>, vector<1x16xf32>,
        %get3A_495 = arith.index_cast %add3A_481 : i32 to index
        %get3A_496 = arith.constant 16 : index
        %get3A_497 = tpu.vector_load %arg11[%get3A_495, %get3A_496] {strides = array<i32>} : memref<256x32xf32, #tpu.memory_space<vmem>>, vector<1x16xf32>,
        %get3A_498 = vector.shape_cast %get3A_497 : vector<1x16xf32> to vector<16xf32>
        %slice3A_499 = vector.extract_strided_slice %get3A_270 {offsets = [7], sizes = [1], strides = [1]} : vector<16xf32> to vector<1xf32>
        %squeeze3A_500 = vector.extract %slice3A_499[0] : f32 from vector<1xf32>
        %mul3A_501 = vector.broadcast %squeeze3A_500 : f32 to vector<16xf32>
        %mul3A_502 = arith.mulf %get3A_498, %mul3A_501 : vector<16xf32>
        %swap3A_503 = arith.index_cast %add3A_481 : i32 to index
        %swap3A_504 = arith.constant 16 : index
        %swap3A_505 = tpu.vector_load %arg11[%swap3A_503, %swap3A_504] {strides = array<i32>} : memref<256x32xf32, #tpu.memory_space<vmem>>, vector<1x16xf32>,
        %swap3A_506 = vector.shape_cast %swap3A_505 : vector<1x16xf32> to vector<16xf32>
        %swap3A_507 = vector.shape_cast %mul3A_502 : vector<16xf32> to vector<1x16xf32>
        tpu.vector_store %arg11[%swap3A_503, %swap3A_504], %swap3A_507 {strides = array<i32>} : memref<256x32xf32, #tpu.memory_space<vmem>>, vector<1x16xf32>,
        %mul3A_508 = arith.constant 16 : i32
        %mul3A_509 = arith.muli %scan3A_266, %mul3A_508 : i32
        %add3A_510 = arith.constant 8 : i32
        %add3A_511 = arith.addi %mul3A_509, %add3A_510 : i32
        %get3A_512 = arith.index_cast %add3A_511 : i32 to index
        %get3A_513 = arith.constant 0 : index
        %get3A_514 = tpu.vector_load %arg11[%get3A_512, %get3A_513] {strides = array<i32>} : memref<256x32xf32, #tpu.memory_space<vmem>>, vector<1x16xf32>,
        %get3A_515 = vector.shape_cast %get3A_514 : vector<1x16xf32> to vector<16xf32>
        %slice3A_516 = vector.extract_strided_slice %get3A_270 {offsets = [8], sizes = [1], strides = [1]} : vector<16xf32> to vector<1xf32>
        %squeeze3A_517 = vector.extract %slice3A_516[0] : f32 from vector<1xf32>
        %mul3A_518 = vector.broadcast %squeeze3A_517 : f32 to vector<16xf32>
        %mul3A_519 = arith.mulf %get3A_515, %mul3A_518 : vector<16xf32>
        %swap3A_520 = arith.index_cast %add3A_511 : i32 to index
        %swap3A_521 = arith.constant 0 : index
        %swap3A_522 = tpu.vector_load %arg11[%swap3A_520, %swap3A_521] {strides = array<i32>} : memref<256x32xf32, #tpu.memory_space<vmem>>, vector<1x16xf32>,
        %swap3A_523 = vector.shape_cast %swap3A_522 : vector<1x16xf32> to vector<16xf32>
        %swap3A_524 = vector.shape_cast %mul3A_519 : vector<16xf32> to vector<1x16xf32>
        tpu.vector_store %arg11[%swap3A_520, %swap3A_521], %swap3A_524 {strides = array<i32>} : memref<256x32xf32, #tpu.memory_space<vmem>>, vector<1x16xf32>,
        %get3A_525 = arith.index_cast %add3A_511 : i32 to index
        %get3A_526 = arith.constant 16 : index
        %get3A_527 = tpu.vector_load %arg11[%get3A_525, %get3A_526] {strides = array<i32>} : memref<256x32xf32, #tpu.memory_space<vmem>>, vector<1x16xf32>,
        %get3A_528 = vector.shape_cast %get3A_527 : vector<1x16xf32> to vector<16xf32>
        %slice3A_529 = vector.extract_strided_slice %get3A_270 {offsets = [8], sizes = [1], strides = [1]} : vector<16xf32> to vector<1xf32>
        %squeeze3A_530 = vector.extract %slice3A_529[0] : f32 from vector<1xf32>
        %mul3A_531 = vector.broadcast %squeeze3A_530 : f32 to vector<16xf32>
        %mul3A_532 = arith.mulf %get3A_528, %mul3A_531 : vector<16xf32>
        %swap3A_533 = arith.index_cast %add3A_511 : i32 to index
        %swap3A_534 = arith.constant 16 : index
        %swap3A_535 = tpu.vector_load %arg11[%swap3A_533, %swap3A_534] {strides = array<i32>} : memref<256x32xf32, #tpu.memory_space<vmem>>, vector<1x16xf32>,
        %swap3A_536 = vector.shape_cast %swap3A_535 : vector<1x16xf32> to vector<16xf32>
        %swap3A_537 = vector.shape_cast %mul3A_532 : vector<16xf32> to vector<1x16xf32>
        tpu.vector_store %arg11[%swap3A_533, %swap3A_534], %swap3A_537 {strides = array<i32>} : memref<256x32xf32, #tpu.memory_space<vmem>>, vector<1x16xf32>,
        %mul3A_538 = arith.constant 16 : i32
        %mul3A_539 = arith.muli %scan3A_266, %mul3A_538 : i32
        %add3A_540 = arith.constant 9 : i32
        %add3A_541 = arith.addi %mul3A_539, %add3A_540 : i32
        %get3A_542 = arith.index_cast %add3A_541 : i32 to index
        %get3A_543 = arith.constant 0 : index
        %get3A_544 = tpu.vector_load %arg11[%get3A_542, %get3A_543] {strides = array<i32>} : memref<256x32xf32, #tpu.memory_space<vmem>>, vector<1x16xf32>,
        %get3A_545 = vector.shape_cast %get3A_544 : vector<1x16xf32> to vector<16xf32>
        %slice3A_546 = vector.extract_strided_slice %get3A_270 {offsets = [9], sizes = [1], strides = [1]} : vector<16xf32> to vector<1xf32>
        %squeeze3A_547 = vector.extract %slice3A_546[0] : f32 from vector<1xf32>
        %mul3A_548 = vector.broadcast %squeeze3A_547 : f32 to vector<16xf32>
        %mul3A_549 = arith.mulf %get3A_545, %mul3A_548 : vector<16xf32>
        %swap3A_550 = arith.index_cast %add3A_541 : i32 to index
        %swap3A_551 = arith.constant 0 : index
        %swap3A_552 = tpu.vector_load %arg11[%swap3A_550, %swap3A_551] {strides = array<i32>} : memref<256x32xf32, #tpu.memory_space<vmem>>, vector<1x16xf32>,
        %swap3A_553 = vector.shape_cast %swap3A_552 : vector<1x16xf32> to vector<16xf32>
        %swap3A_554 = vector.shape_cast %mul3A_549 : vector<16xf32> to vector<1x16xf32>
        tpu.vector_store %arg11[%swap3A_550, %swap3A_551], %swap3A_554 {strides = array<i32>} : memref<256x32xf32, #tpu.memory_space<vmem>>, vector<1x16xf32>,
        %get3A_555 = arith.index_cast %add3A_541 : i32 to index
        %get3A_556 = arith.constant 16 : index
        %get3A_557 = tpu.vector_load %arg11[%get3A_555, %get3A_556] {strides = array<i32>} : memref<256x32xf32, #tpu.memory_space<vmem>>, vector<1x16xf32>,
        %get3A_558 = vector.shape_cast %get3A_557 : vector<1x16xf32> to vector<16xf32>
        %slice3A_559 = vector.extract_strided_slice %get3A_270 {offsets = [9], sizes = [1], strides = [1]} : vector<16xf32> to vector<1xf32>
        %squeeze3A_560 = vector.extract %slice3A_559[0] : f32 from vector<1xf32>
        %mul3A_561 = vector.broadcast %squeeze3A_560 : f32 to vector<16xf32>
        %mul3A_562 = arith.mulf %get3A_558, %mul3A_561 : vector<16xf32>
        %swap3A_563 = arith.index_cast %add3A_541 : i32 to index
        %swap3A_564 = arith.constant 16 : index
        %swap3A_565 = tpu.vector_load %arg11[%swap3A_563, %swap3A_564] {strides = array<i32>} : memref<256x32xf32, #tpu.memory_space<vmem>>, vector<1x16xf32>,
        %swap3A_566 = vector.shape_cast %swap3A_565 : vector<1x16xf32> to vector<16xf32>
        %swap3A_567 = vector.shape_cast %mul3A_562 : vector<16xf32> to vector<1x16xf32>
        tpu.vector_store %arg11[%swap3A_563, %swap3A_564], %swap3A_567 {strides = array<i32>} : memref<256x32xf32, #tpu.memory_space<vmem>>, vector<1x16xf32>,
        %mul3A_568 = arith.constant 16 : i32
        %mul3A_569 = arith.muli %scan3A_266, %mul3A_568 : i32
        %add3A_570 = arith.constant 10 : i32
        %add3A_571 = arith.addi %mul3A_569, %add3A_570 : i32
        %get3A_572 = arith.index_cast %add3A_571 : i32 to index
        %get3A_573 = arith.constant 0 : index
        %get3A_574 = tpu.vector_load %arg11[%get3A_572, %get3A_573] {strides = array<i32>} : memref<256x32xf32, #tpu.memory_space<vmem>>, vector<1x16xf32>,
        %get3A_575 = vector.shape_cast %get3A_574 : vector<1x16xf32> to vector<16xf32>
        %slice3A_576 = vector.extract_strided_slice %get3A_270 {offsets = [10], sizes = [1], strides = [1]} : vector<16xf32> to vector<1xf32>
        %squeeze3A_577 = vector.extract %slice3A_576[0] : f32 from vector<1xf32>
        %mul3A_578 = vector.broadcast %squeeze3A_577 : f32 to vector<16xf32>
        %mul3A_579 = arith.mulf %get3A_575, %mul3A_578 : vector<16xf32>
        %swap3A_580 = arith.index_cast %add3A_571 : i32 to index
        %swap3A_581 = arith.constant 0 : index
        %swap3A_582 = tpu.vector_load %arg11[%swap3A_580, %swap3A_581] {strides = array<i32>} : memref<256x32xf32, #tpu.memory_space<vmem>>, vector<1x16xf32>,
        %swap3A_583 = vector.shape_cast %swap3A_582 : vector<1x16xf32> to vector<16xf32>
        %swap3A_584 = vector.shape_cast %mul3A_579 : vector<16xf32> to vector<1x16xf32>
        tpu.vector_store %arg11[%swap3A_580, %swap3A_581], %swap3A_584 {strides = array<i32>} : memref<256x32xf32, #tpu.memory_space<vmem>>, vector<1x16xf32>,
        %get3A_585 = arith.index_cast %add3A_571 : i32 to index
        %get3A_586 = arith.constant 16 : index
        %get3A_587 = tpu.vector_load %arg11[%get3A_585, %get3A_586] {strides = array<i32>} : memref<256x32xf32, #tpu.memory_space<vmem>>, vector<1x16xf32>,
        %get3A_588 = vector.shape_cast %get3A_587 : vector<1x16xf32> to vector<16xf32>
        %slice3A_589 = vector.extract_strided_slice %get3A_270 {offsets = [10], sizes = [1], strides = [1]} : vector<16xf32> to vector<1xf32>
        %squeeze3A_590 = vector.extract %slice3A_589[0] : f32 from vector<1xf32>
        %mul3A_591 = vector.broadcast %squeeze3A_590 : f32 to vector<16xf32>
        %mul3A_592 = arith.mulf %get3A_588, %mul3A_591 : vector<16xf32>
        %swap3A_593 = arith.index_cast %add3A_571 : i32 to index
        %swap3A_594 = arith.constant 16 : index
        %swap3A_595 = tpu.vector_load %arg11[%swap3A_593, %swap3A_594] {strides = array<i32>} : memref<256x32xf32, #tpu.memory_space<vmem>>, vector<1x16xf32>,
        %swap3A_596 = vector.shape_cast %swap3A_595 : vector<1x16xf32> to vector<16xf32>
        %swap3A_597 = vector.shape_cast %mul3A_592 : vector<16xf32> to vector<1x16xf32>
        tpu.vector_store %arg11[%swap3A_593, %swap3A_594], %swap3A_597 {strides = array<i32>} : memref<256x32xf32, #tpu.memory_space<vmem>>, vector<1x16xf32>,
        %mul3A_598 = arith.constant 16 : i32
        %mul3A_599 = arith.muli %scan3A_266, %mul3A_598 : i32
        %add3A_600 = arith.constant 11 : i32
        %add3A_601 = arith.addi %mul3A_599, %add3A_600 : i32
        %get3A_602 = arith.index_cast %add3A_601 : i32 to index
        %get3A_603 = arith.constant 0 : index
        %get3A_604 = tpu.vector_load %arg11[%get3A_602, %get3A_603] {strides = array<i32>} : memref<256x32xf32, #tpu.memory_space<vmem>>, vector<1x16xf32>,
        %get3A_605 = vector.shape_cast %get3A_604 : vector<1x16xf32> to vector<16xf32>
        %slice3A_606 = vector.extract_strided_slice %get3A_270 {offsets = [11], sizes = [1], strides = [1]} : vector<16xf32> to vector<1xf32>
        %squeeze3A_607 = vector.extract %slice3A_606[0] : f32 from vector<1xf32>
        %mul3A_608 = vector.broadcast %squeeze3A_607 : f32 to vector<16xf32>
        %mul3A_609 = arith.mulf %get3A_605, %mul3A_608 : vector<16xf32>
        %swap3A_610 = arith.index_cast %add3A_601 : i32 to index
        %swap3A_611 = arith.constant 0 : index
        %swap3A_612 = tpu.vector_load %arg11[%swap3A_610, %swap3A_611] {strides = array<i32>} : memref<256x32xf32, #tpu.memory_space<vmem>>, vector<1x16xf32>,
        %swap3A_613 = vector.shape_cast %swap3A_612 : vector<1x16xf32> to vector<16xf32>
        %swap3A_614 = vector.shape_cast %mul3A_609 : vector<16xf32> to vector<1x16xf32>
        tpu.vector_store %arg11[%swap3A_610, %swap3A_611], %swap3A_614 {strides = array<i32>} : memref<256x32xf32, #tpu.memory_space<vmem>>, vector<1x16xf32>,
        %get3A_615 = arith.index_cast %add3A_601 : i32 to index
        %get3A_616 = arith.constant 16 : index
        %get3A_617 = tpu.vector_load %arg11[%get3A_615, %get3A_616] {strides = array<i32>} : memref<256x32xf32, #tpu.memory_space<vmem>>, vector<1x16xf32>,
        %get3A_618 = vector.shape_cast %get3A_617 : vector<1x16xf32> to vector<16xf32>
        %slice3A_619 = vector.extract_strided_slice %get3A_270 {offsets = [11], sizes = [1], strides = [1]} : vector<16xf32> to vector<1xf32>
        %squeeze3A_620 = vector.extract %slice3A_619[0] : f32 from vector<1xf32>
        %mul3A_621 = vector.broadcast %squeeze3A_620 : f32 to vector<16xf32>
        %mul3A_622 = arith.mulf %get3A_618, %mul3A_621 : vector<16xf32>
        %swap3A_623 = arith.index_cast %add3A_601 : i32 to index
        %swap3A_624 = arith.constant 16 : index
        %swap3A_625 = tpu.vector_load %arg11[%swap3A_623, %swap3A_624] {strides = array<i32>} : memref<256x32xf32, #tpu.memory_space<vmem>>, vector<1x16xf32>,
        %swap3A_626 = vector.shape_cast %swap3A_625 : vector<1x16xf32> to vector<16xf32>
        %swap3A_627 = vector.shape_cast %mul3A_622 : vector<16xf32> to vector<1x16xf32>
        tpu.vector_store %arg11[%swap3A_623, %swap3A_624], %swap3A_627 {strides = array<i32>} : memref<256x32xf32, #tpu.memory_space<vmem>>, vector<1x16xf32>,
        %mul3A_628 = arith.constant 16 : i32
        %mul3A_629 = arith.muli %scan3A_266, %mul3A_628 : i32
        %add3A_630 = arith.constant 12 : i32
        %add3A_631 = arith.addi %mul3A_629, %add3A_630 : i32
        %get3A_632 = arith.index_cast %add3A_631 : i32 to index
        %get3A_633 = arith.constant 0 : index
        %get3A_634 = tpu.vector_load %arg11[%get3A_632, %get3A_633] {strides = array<i32>} : memref<256x32xf32, #tpu.memory_space<vmem>>, vector<1x16xf32>,
        %get3A_635 = vector.shape_cast %get3A_634 : vector<1x16xf32> to vector<16xf32>
        %slice3A_636 = vector.extract_strided_slice %get3A_270 {offsets = [12], sizes = [1], strides = [1]} : vector<16xf32> to vector<1xf32>
        %squeeze3A_637 = vector.extract %slice3A_636[0] : f32 from vector<1xf32>
        %mul3A_638 = vector.broadcast %squeeze3A_637 : f32 to vector<16xf32>
        %mul3A_639 = arith.mulf %get3A_635, %mul3A_638 : vector<16xf32>
        %swap3A_640 = arith.index_cast %add3A_631 : i32 to index
        %swap3A_641 = arith.constant 0 : index
        %swap3A_642 = tpu.vector_load %arg11[%swap3A_640, %swap3A_641] {strides = array<i32>} : memref<256x32xf32, #tpu.memory_space<vmem>>, vector<1x16xf32>,
        %swap3A_643 = vector.shape_cast %swap3A_642 : vector<1x16xf32> to vector<16xf32>
        %swap3A_644 = vector.shape_cast %mul3A_639 : vector<16xf32> to vector<1x16xf32>
        tpu.vector_store %arg11[%swap3A_640, %swap3A_641], %swap3A_644 {strides = array<i32>} : memref<256x32xf32, #tpu.memory_space<vmem>>, vector<1x16xf32>,
        %get3A_645 = arith.index_cast %add3A_631 : i32 to index
        %get3A_646 = arith.constant 16 : index
        %get3A_647 = tpu.vector_load %arg11[%get3A_645, %get3A_646] {strides = array<i32>} : memref<256x32xf32, #tpu.memory_space<vmem>>, vector<1x16xf32>,
        %get3A_648 = vector.shape_cast %get3A_647 : vector<1x16xf32> to vector<16xf32>
        %slice3A_649 = vector.extract_strided_slice %get3A_270 {offsets = [12], sizes = [1], strides = [1]} : vector<16xf32> to vector<1xf32>
        %squeeze3A_650 = vector.extract %slice3A_649[0] : f32 from vector<1xf32>
        %mul3A_651 = vector.broadcast %squeeze3A_650 : f32 to vector<16xf32>
        %mul3A_652 = arith.mulf %get3A_648, %mul3A_651 : vector<16xf32>
        %swap3A_653 = arith.index_cast %add3A_631 : i32 to index
        %swap3A_654 = arith.constant 16 : index
        %swap3A_655 = tpu.vector_load %arg11[%swap3A_653, %swap3A_654] {strides = array<i32>} : memref<256x32xf32, #tpu.memory_space<vmem>>, vector<1x16xf32>,
        %swap3A_656 = vector.shape_cast %swap3A_655 : vector<1x16xf32> to vector<16xf32>
        %swap3A_657 = vector.shape_cast %mul3A_652 : vector<16xf32> to vector<1x16xf32>
        tpu.vector_store %arg11[%swap3A_653, %swap3A_654], %swap3A_657 {strides = array<i32>} : memref<256x32xf32, #tpu.memory_space<vmem>>, vector<1x16xf32>,
        %mul3A_658 = arith.constant 16 : i32
        %mul3A_659 = arith.muli %scan3A_266, %mul3A_658 : i32
        %add3A_660 = arith.constant 13 : i32
        %add3A_661 = arith.addi %mul3A_659, %add3A_660 : i32
        %get3A_662 = arith.index_cast %add3A_661 : i32 to index
        %get3A_663 = arith.constant 0 : index
        %get3A_664 = tpu.vector_load %arg11[%get3A_662, %get3A_663] {strides = array<i32>} : memref<256x32xf32, #tpu.memory_space<vmem>>, vector<1x16xf32>,
        %get3A_665 = vector.shape_cast %get3A_664 : vector<1x16xf32> to vector<16xf32>
        %slice3A_666 = vector.extract_strided_slice %get3A_270 {offsets = [13], sizes = [1], strides = [1]} : vector<16xf32> to vector<1xf32>
        %squeeze3A_667 = vector.extract %slice3A_666[0] : f32 from vector<1xf32>
        %mul3A_668 = vector.broadcast %squeeze3A_667 : f32 to vector<16xf32>
        %mul3A_669 = arith.mulf %get3A_665, %mul3A_668 : vector<16xf32>
        %swap3A_670 = arith.index_cast %add3A_661 : i32 to index
        %swap3A_671 = arith.constant 0 : index
        %swap3A_672 = tpu.vector_load %arg11[%swap3A_670, %swap3A_671] {strides = array<i32>} : memref<256x32xf32, #tpu.memory_space<vmem>>, vector<1x16xf32>,
        %swap3A_673 = vector.shape_cast %swap3A_672 : vector<1x16xf32> to vector<16xf32>
        %swap3A_674 = vector.shape_cast %mul3A_669 : vector<16xf32> to vector<1x16xf32>
        tpu.vector_store %arg11[%swap3A_670, %swap3A_671], %swap3A_674 {strides = array<i32>} : memref<256x32xf32, #tpu.memory_space<vmem>>, vector<1x16xf32>,
        %get3A_675 = arith.index_cast %add3A_661 : i32 to index
        %get3A_676 = arith.constant 16 : index
        %get3A_677 = tpu.vector_load %arg11[%get3A_675, %get3A_676] {strides = array<i32>} : memref<256x32xf32, #tpu.memory_space<vmem>>, vector<1x16xf32>,
        %get3A_678 = vector.shape_cast %get3A_677 : vector<1x16xf32> to vector<16xf32>
        %slice3A_679 = vector.extract_strided_slice %get3A_270 {offsets = [13], sizes = [1], strides = [1]} : vector<16xf32> to vector<1xf32>
        %squeeze3A_680 = vector.extract %slice3A_679[0] : f32 from vector<1xf32>
        %mul3A_681 = vector.broadcast %squeeze3A_680 : f32 to vector<16xf32>
        %mul3A_682 = arith.mulf %get3A_678, %mul3A_681 : vector<16xf32>
        %swap3A_683 = arith.index_cast %add3A_661 : i32 to index
        %swap3A_684 = arith.constant 16 : index
        %swap3A_685 = tpu.vector_load %arg11[%swap3A_683, %swap3A_684] {strides = array<i32>} : memref<256x32xf32, #tpu.memory_space<vmem>>, vector<1x16xf32>,
        %swap3A_686 = vector.shape_cast %swap3A_685 : vector<1x16xf32> to vector<16xf32>
        %swap3A_687 = vector.shape_cast %mul3A_682 : vector<16xf32> to vector<1x16xf32>
        tpu.vector_store %arg11[%swap3A_683, %swap3A_684], %swap3A_687 {strides = array<i32>} : memref<256x32xf32, #tpu.memory_space<vmem>>, vector<1x16xf32>,
        %mul3A_688 = arith.constant 16 : i32
        %mul3A_689 = arith.muli %scan3A_266, %mul3A_688 : i32
        %add3A_690 = arith.constant 14 : i32
        %add3A_691 = arith.addi %mul3A_689, %add3A_690 : i32
        %get3A_692 = arith.index_cast %add3A_691 : i32 to index
        %get3A_693 = arith.constant 0 : index
        %get3A_694 = tpu.vector_load %arg11[%get3A_692, %get3A_693] {strides = array<i32>} : memref<256x32xf32, #tpu.memory_space<vmem>>, vector<1x16xf32>,
        %get3A_695 = vector.shape_cast %get3A_694 : vector<1x16xf32> to vector<16xf32>
        %slice3A_696 = vector.extract_strided_slice %get3A_270 {offsets = [14], sizes = [1], strides = [1]} : vector<16xf32> to vector<1xf32>
        %squeeze3A_697 = vector.extract %slice3A_696[0] : f32 from vector<1xf32>
        %mul3A_698 = vector.broadcast %squeeze3A_697 : f32 to vector<16xf32>
        %mul3A_699 = arith.mulf %get3A_695, %mul3A_698 : vector<16xf32>
        %swap3A_700 = arith.index_cast %add3A_691 : i32 to index
        %swap3A_701 = arith.constant 0 : index
        %swap3A_702 = tpu.vector_load %arg11[%swap3A_700, %swap3A_701] {strides = array<i32>} : memref<256x32xf32, #tpu.memory_space<vmem>>, vector<1x16xf32>,
        %swap3A_703 = vector.shape_cast %swap3A_702 : vector<1x16xf32> to vector<16xf32>
        %swap3A_704 = vector.shape_cast %mul3A_699 : vector<16xf32> to vector<1x16xf32>
        tpu.vector_store %arg11[%swap3A_700, %swap3A_701], %swap3A_704 {strides = array<i32>} : memref<256x32xf32, #tpu.memory_space<vmem>>, vector<1x16xf32>,
        %get3A_705 = arith.index_cast %add3A_691 : i32 to index
        %get3A_706 = arith.constant 16 : index
        %get3A_707 = tpu.vector_load %arg11[%get3A_705, %get3A_706] {strides = array<i32>} : memref<256x32xf32, #tpu.memory_space<vmem>>, vector<1x16xf32>,
        %get3A_708 = vector.shape_cast %get3A_707 : vector<1x16xf32> to vector<16xf32>
        %slice3A_709 = vector.extract_strided_slice %get3A_270 {offsets = [14], sizes = [1], strides = [1]} : vector<16xf32> to vector<1xf32>
        %squeeze3A_710 = vector.extract %slice3A_709[0] : f32 from vector<1xf32>
        %mul3A_711 = vector.broadcast %squeeze3A_710 : f32 to vector<16xf32>
        %mul3A_712 = arith.mulf %get3A_708, %mul3A_711 : vector<16xf32>
        %swap3A_713 = arith.index_cast %add3A_691 : i32 to index
        %swap3A_714 = arith.constant 16 : index
        %swap3A_715 = tpu.vector_load %arg11[%swap3A_713, %swap3A_714] {strides = array<i32>} : memref<256x32xf32, #tpu.memory_space<vmem>>, vector<1x16xf32>,
        %swap3A_716 = vector.shape_cast %swap3A_715 : vector<1x16xf32> to vector<16xf32>
        %swap3A_717 = vector.shape_cast %mul3A_712 : vector<16xf32> to vector<1x16xf32>
        tpu.vector_store %arg11[%swap3A_713, %swap3A_714], %swap3A_717 {strides = array<i32>} : memref<256x32xf32, #tpu.memory_space<vmem>>, vector<1x16xf32>,
        %mul3A_718 = arith.constant 16 : i32
        %mul3A_719 = arith.muli %scan3A_266, %mul3A_718 : i32
        %add3A_720 = arith.constant 15 : i32
        %add3A_721 = arith.addi %mul3A_719, %add3A_720 : i32
        %get3A_722 = arith.index_cast %add3A_721 : i32 to index
        %get3A_723 = arith.constant 0 : index
        %get3A_724 = tpu.vector_load %arg11[%get3A_722, %get3A_723] {strides = array<i32>} : memref<256x32xf32, #tpu.memory_space<vmem>>, vector<1x16xf32>,
        %get3A_725 = vector.shape_cast %get3A_724 : vector<1x16xf32> to vector<16xf32>
        %slice3A_726 = vector.extract_strided_slice %get3A_270 {offsets = [15], sizes = [1], strides = [1]} : vector<16xf32> to vector<1xf32>
        %squeeze3A_727 = vector.extract %slice3A_726[0] : f32 from vector<1xf32>
        %mul3A_728 = vector.broadcast %squeeze3A_727 : f32 to vector<16xf32>
        %mul3A_729 = arith.mulf %get3A_725, %mul3A_728 : vector<16xf32>
        %swap3A_730 = arith.index_cast %add3A_721 : i32 to index
        %swap3A_731 = arith.constant 0 : index
        %swap3A_732 = tpu.vector_load %arg11[%swap3A_730, %swap3A_731] {strides = array<i32>} : memref<256x32xf32, #tpu.memory_space<vmem>>, vector<1x16xf32>,
        %swap3A_733 = vector.shape_cast %swap3A_732 : vector<1x16xf32> to vector<16xf32>
        %swap3A_734 = vector.shape_cast %mul3A_729 : vector<16xf32> to vector<1x16xf32>
        tpu.vector_store %arg11[%swap3A_730, %swap3A_731], %swap3A_734 {strides = array<i32>} : memref<256x32xf32, #tpu.memory_space<vmem>>, vector<1x16xf32>,
        %get3A_735 = arith.index_cast %add3A_721 : i32 to index
        %get3A_736 = arith.constant 16 : index
        %get3A_737 = tpu.vector_load %arg11[%get3A_735, %get3A_736] {strides = array<i32>} : memref<256x32xf32, #tpu.memory_space<vmem>>, vector<1x16xf32>,
        %get3A_738 = vector.shape_cast %get3A_737 : vector<1x16xf32> to vector<16xf32>
        %slice3A_739 = vector.extract_strided_slice %get3A_270 {offsets = [15], sizes = [1], strides = [1]} : vector<16xf32> to vector<1xf32>
        %squeeze3A_740 = vector.extract %slice3A_739[0] : f32 from vector<1xf32>
        %mul3A_741 = vector.broadcast %squeeze3A_740 : f32 to vector<16xf32>
        %mul3A_742 = arith.mulf %get3A_738, %mul3A_741 : vector<16xf32>
        %swap3A_743 = arith.index_cast %add3A_721 : i32 to index
        %swap3A_744 = arith.constant 16 : index
        %swap3A_745 = tpu.vector_load %arg11[%swap3A_743, %swap3A_744] {strides = array<i32>} : memref<256x32xf32, #tpu.memory_space<vmem>>, vector<1x16xf32>,
        %swap3A_746 = vector.shape_cast %swap3A_745 : vector<1x16xf32> to vector<16xf32>
        %swap3A_747 = vector.shape_cast %mul3A_742 : vector<16xf32> to vector<1x16xf32>
        tpu.vector_store %arg11[%swap3A_743, %swap3A_744], %swap3A_747 {strides = array<i32>} : memref<256x32xf32, #tpu.memory_space<vmem>>, vector<1x16xf32>,
      }
      %scan3A_220 = arith.constant 16 : i32
      %dma_start3A_221 = arith.constant 2 : i32
      %dma_start3A_222 = arith.constant 0 : i32
      %dma_start3A_223 = arith.constant 0 : i32
      %dma_start3A_224 = tpu.memref_slice %arg11[%dma_start3A_222, %dma_start3A_223] : memref<256x32xf32, #tpu.memory_space<vmem>> -> memref<128x32xf32, #tpu.memory_space<vmem>>
      %dma_start3A_225 = arith.constant 0 : i32
      %dma_start3A_226 = tpu.memref_slice %arg7[%dma_start3A_221, %dma_start3A_225] : memref<4x128xi32, #tpu.memory_space<vmem>> -> memref<1x128xi32, #tpu.memory_space<vmem>>
      %dma_start3A_227 = tpu.memref_squeeze %dma_start3A_226 : memref<1x128xi32, #tpu.memory_space<vmem>> -> memref<128xi32, #tpu.memory_space<vmem>>
      %dma_start3A_228 = arith.constant 0 : i32
      %dma_start3A_229 = arith.constant 0 : i32
      %dma_start3A_230 = tpu.memref_slice %arg12[%dma_start3A_228, %dma_start3A_229] : memref<50048x32xf32, #tpu.memory_space<vmem_shared>> -> memref<50048x32xf32, #tpu.memory_space<vmem_shared>>
      tpu.enqueue_indirect_dma source(%dma_start3A_224 : memref<128x32xf32, #tpu.memory_space<vmem>>) target(%dma_start3A_230 : memref<50048x32xf32, #tpu.memory_space<vmem_shared>>) offsets(%dma_start3A_227 : memref<128xi32, #tpu.memory_space<vmem>>) semaphore(%arg17 : memref<!tpu.dma_semaphore, #tpu.memory_space<semaphore_mem>>) {add = true}
      %dma_start3A_231 = arith.constant 3 : i32
      %dma_start3A_232 = arith.constant 128 : i32
      %dma_start3A_233 = arith.constant 0 : i32
      %dma_start3A_234 = tpu.memref_slice %arg11[%dma_start3A_232, %dma_start3A_233] : memref<256x32xf32, #tpu.memory_space<vmem>> -> memref<128x32xf32, #tpu.memory_space<vmem>>
      %dma_start3A_235 = arith.constant 0 : i32
      %dma_start3A_236 = tpu.memref_slice %arg7[%dma_start3A_231, %dma_start3A_235] : memref<4x128xi32, #tpu.memory_space<vmem>> -> memref<1x128xi32, #tpu.memory_space<vmem>>
      %dma_start3A_237 = tpu.memref_squeeze %dma_start3A_236 : memref<1x128xi32, #tpu.memory_space<vmem>> -> memref<128xi32, #tpu.memory_space<vmem>>
      %dma_start3A_238 = arith.constant 0 : i32
      %dma_start3A_239 = arith.constant 0 : i32
      %dma_start3A_240 = tpu.memref_slice %arg12[%dma_start3A_238, %dma_start3A_239] : memref<50048x32xf32, #tpu.memory_space<vmem_shared>> -> memref<50048x32xf32, #tpu.memory_space<vmem_shared>>
      tpu.enqueue_indirect_dma source(%dma_start3A_234 : memref<128x32xf32, #tpu.memory_space<vmem>>) target(%dma_start3A_240 : memref<50048x32xf32, #tpu.memory_space<vmem_shared>>) offsets(%dma_start3A_237 : memref<128xi32, #tpu.memory_space<vmem>>) semaphore(%arg17 : memref<!tpu.dma_semaphore, #tpu.memory_space<semaphore_mem>>) {add = true}
      %dma_wait3A_241 = arith.constant 2 : i32
      %dma_wait3A_242 = arith.constant 0 : i32
      %dma_wait3A_243 = arith.constant 0 : i32
      %dma_wait3A_244 = tpu.memref_slice %arg11[%dma_wait3A_242, %dma_wait3A_243] : memref<256x32xf32, #tpu.memory_space<vmem>> -> memref<128x32xf32, #tpu.memory_space<vmem>>
      %dma_wait3A_245 = arith.constant 0 : i32
      %dma_wait3A_246 = tpu.memref_slice %arg7[%dma_wait3A_241, %dma_wait3A_245] : memref<4x128xi32, #tpu.memory_space<vmem>> -> memref<1x128xi32, #tpu.memory_space<vmem>>
      %dma_wait3A_247 = tpu.memref_squeeze %dma_wait3A_246 : memref<1x128xi32, #tpu.memory_space<vmem>> -> memref<128xi32, #tpu.memory_space<vmem>>
      %dma_wait3A_248 = arith.constant 0 : i32
      %dma_wait3A_249 = arith.constant 0 : i32
      %dma_wait3A_250 = tpu.memref_slice %arg12[%dma_wait3A_248, %dma_wait3A_249] : memref<50048x32xf32, #tpu.memory_space<vmem_shared>> -> memref<50048x32xf32, #tpu.memory_space<vmem_shared>>
      tpu.wait_indirect_dma semaphore(%arg17 : memref<!tpu.dma_semaphore, #tpu.memory_space<semaphore_mem>>) src(%dma_wait3A_244 : memref<128x32xf32, #tpu.memory_space<vmem>>) dst(%dma_wait3A_250 : memref<50048x32xf32, #tpu.memory_space<vmem_shared>>)
      %dma_wait3A_251 = arith.constant 3 : i32
      %dma_wait3A_252 = arith.constant 128 : i32
      %dma_wait3A_253 = arith.constant 0 : i32
      %dma_wait3A_254 = tpu.memref_slice %arg11[%dma_wait3A_252, %dma_wait3A_253] : memref<256x32xf32, #tpu.memory_space<vmem>> -> memref<128x32xf32, #tpu.memory_space<vmem>>
      %dma_wait3A_255 = arith.constant 0 : i32
      %dma_wait3A_256 = tpu.memref_slice %arg7[%dma_wait3A_251, %dma_wait3A_255] : memref<4x128xi32, #tpu.memory_space<vmem>> -> memref<1x128xi32, #tpu.memory_space<vmem>>
      %dma_wait3A_257 = tpu.memref_squeeze %dma_wait3A_256 : memref<1x128xi32, #tpu.memory_space<vmem>> -> memref<128xi32, #tpu.memory_space<vmem>>
      %dma_wait3A_258 = arith.constant 0 : i32
      %dma_wait3A_259 = arith.constant 0 : i32
      %dma_wait3A_260 = tpu.memref_slice %arg12[%dma_wait3A_258, %dma_wait3A_259] : memref<50048x32xf32, #tpu.memory_space<vmem_shared>> -> memref<50048x32xf32, #tpu.memory_space<vmem_shared>>
      tpu.wait_indirect_dma semaphore(%arg17 : memref<!tpu.dma_semaphore, #tpu.memory_space<semaphore_mem>>) src(%dma_wait3A_254 : memref<128x32xf32, #tpu.memory_space<vmem>>) dst(%dma_wait3A_260 : memref<50048x32xf32, #tpu.memory_space<vmem_shared>>)
      %lt3A_261 = arith.constant 194 : i32
      %lt3A_262 = arith.cmpi slt, %add3A_181, %lt3A_261 : i32
      %convert_element_type3A_263 = arith.extui %lt3A_262 : i1 to i32
      %cond3A_264 = arith.constant 0 : i32
      %cond3A_265 = arith.cmpi ne, %convert_element_type3A_263, %cond3A_264 : i32
      scf.if %cond3A_265 {
        %add3A_266 = arith.addi %mul3A_11, %add3A_181 : i32
        %add3A_267 = arith.constant 2 : i32
        %add3A_268 = arith.addi %add3A_266, %add3A_267 : i32
        %dma_start3A_269 = arith.constant 0 : i32
        %dma_start3A_270 = arith.constant 0 : i32
        %dma_start3A_271 = tpu.memref_slice %arg3[%add3A_268, %dma_start3A_269, %dma_start3A_270] : memref<3136x4x128xi32, #tpu.memory_space<hbm>> -> memref<1x4x128xi32, #tpu.memory_space<hbm>>
        %dma_start3A_272 = tpu.memref_squeeze %dma_start3A_271 : memref<1x4x128xi32, #tpu.memory_space<hbm>> -> memref<4x128xi32, #tpu.memory_space<hbm>>
        %dma_start3A_273 = arith.constant 0 : i32
        %dma_start3A_274 = arith.constant 0 : i32
        %dma_start3A_275 = tpu.memref_slice %arg3[%add3A_268, %dma_start3A_273, %dma_start3A_274] : memref<3136x4x128xi32, #tpu.memory_space<hbm>> -> memref<1x4x128xi32, #tpu.memory_space<hbm>>
        %dma_start3A_276 = tpu.memref_squeeze %dma_start3A_275 : memref<1x4x128xi32, #tpu.memory_space<hbm>> -> memref<4x128xi32, #tpu.memory_space<hbm>>
        tpu.enqueue_dma source(%dma_start3A_276 : memref<4x128xi32, #tpu.memory_space<hbm>>) target(%arg7 : memref<4x128xi32, #tpu.memory_space<vmem>>) target_semaphore(%arg14 : memref<!tpu.dma_semaphore, #tpu.memory_space<semaphore_mem>>)
        %dma_start3A_277 = arith.constant 0 : i32
        %dma_start3A_278 = tpu.memref_slice %arg4[%add3A_268, %dma_start3A_277] : memref<3136x256xf32, #tpu.memory_space<hbm>> -> memref<1x256xf32, #tpu.memory_space<hbm>>
        %dma_start3A_279 = tpu.memref_squeeze %dma_start3A_278 : memref<1x256xf32, #tpu.memory_space<hbm>> -> memref<256xf32, #tpu.memory_space<hbm>>
        %dma_start3A_280 = arith.constant 0 : i32
        %dma_start3A_281 = tpu.memref_slice %arg4[%add3A_268, %dma_start3A_280] : memref<3136x256xf32, #tpu.memory_space<hbm>> -> memref<1x256xf32, #tpu.memory_space<hbm>>
        %dma_start3A_282 = tpu.memref_squeeze %dma_start3A_281 : memref<1x256xf32, #tpu.memory_space<hbm>> -> memref<256xf32, #tpu.memory_space<hbm>>
        tpu.enqueue_dma source(%dma_start3A_282 : memref<256xf32, #tpu.memory_space<hbm>>) target(%arg9 : memref<256xf32, #tpu.memory_space<vmem>>) target_semaphore(%arg14 : memref<!tpu.dma_semaphore, #tpu.memory_space<semaphore_mem>>)
      } else {
      }
    }
    %scan3A_86 = arith.constant 98 : i32
    %barrier3A_87 = arith.constant 0 : index
    tpu.barrier barrier_id(%barrier3A_87)
    %mul3A_88 = arith.constant 3128 : i32
    %mul3A_89 = arith.muli %arg1, %mul3A_88 : i32
    %mul3A_90 = arith.constant 3128 : i32
    %mul3A_91 = arith.muli %arg1, %mul3A_90 : i32
    "tpu.region"() ({
      %run_scoped3A = tpu.sem_alloc : memref<!tpu.dma_semaphore, #tpu.memory_space<semaphore_mem>>
      %dma_start3A_92 = arith.constant 0 : i32
      %dma_start3A_93 = arith.constant 0 : i32
      %dma_start3A_94 = tpu.memref_slice %arg5[%arg0, %dma_start3A_92, %dma_start3A_93] : memref<2x50048x32xf32, #tpu.memory_space<hbm>> -> memref<1x50048x32xf32, #tpu.memory_space<hbm>>
      %dma_start3A_95 = tpu.memref_squeeze %dma_start3A_94 : memref<1x50048x32xf32, #tpu.memory_space<hbm>> -> memref<50048x32xf32, #tpu.memory_space<hbm>>
      %dma_start3A_96 = arith.constant 0 : i32
      %dma_start3A_97 = tpu.memref_slice %dma_start3A_95[%mul3A_91, %dma_start3A_96] : memref<50048x32xf32, #tpu.memory_space<hbm>> -> memref<3128x32xf32, #tpu.memory_space<hbm>>
      %dma_start3A_98 = arith.constant 0 : i32
      %dma_start3A_99 = tpu.memref_slice %arg12[%mul3A_89, %dma_start3A_98] : memref<50048x32xf32, #tpu.memory_space<vmem_shared>> -> memref<3128x32xf32, #tpu.memory_space<vmem_shared>>
      tpu.enqueue_dma source(%dma_start3A_99 : memref<3128x32xf32, #tpu.memory_space<vmem_shared>>) target(%dma_start3A_97 : memref<3128x32xf32, #tpu.memory_space<hbm>>) target_semaphore(%run_scoped3A : memref<!tpu.dma_semaphore, #tpu.memory_space<semaphore_mem>>)
      %dma_wait3A_100 = arith.constant 0 : i32
      %dma_wait3A_101 = arith.constant 0 : i32
      %dma_wait3A_102 = tpu.memref_slice %arg5[%arg0, %dma_wait3A_100, %dma_wait3A_101] : memref<2x50048x32xf32, #tpu.memory_space<hbm>> -> memref<1x50048x32xf32, #tpu.memory_space<hbm>>
      %dma_wait3A_103 = tpu.memref_squeeze %dma_wait3A_102 : memref<1x50048x32xf32, #tpu.memory_space<hbm>> -> memref<50048x32xf32, #tpu.memory_space<hbm>>
      %dma_wait3A_104 = arith.constant 0 : i32
      %dma_wait3A_105 = tpu.memref_slice %dma_wait3A_103[%mul3A_91, %dma_wait3A_104] : memref<50048x32xf32, #tpu.memory_space<hbm>> -> memref<3128x32xf32, #tpu.memory_space<hbm>>
      %dma_wait3A_106 = arith.constant 0 : i32
      %dma_wait3A_107 = tpu.memref_slice %arg12[%mul3A_89, %dma_wait3A_106] : memref<50048x32xf32, #tpu.memory_space<vmem_shared>> -> memref<3128x32xf32, #tpu.memory_space<vmem_shared>>
      tpu.wait_dma2 semaphore(%run_scoped3A : memref<!tpu.dma_semaphore, #tpu.memory_space<semaphore_mem>>) src(%dma_wait3A_107 : memref<3128x32xf32, #tpu.memory_space<vmem_shared>>) dst(%dma_wait3A_105 : memref<3128x32xf32, #tpu.memory_space<hbm>>)
      tpu.yield
    }) : () -> ()
    return
  }
}

</mosaic_0001>

<sc_bundles>
// kernel: _layer.3.cloned.1.call-start
scs
__scs_entry_jumppad:
0x0: {  	(pc) =	sbr.rel $0x88, $3  }
0x1: {  	(tag) =	ssettag $0x0;
	lr =	simm.s32 $0x1  }
0x2: {  	[smem:$0x3F9E] =	sst lr;
	_ =	strace $0xD0000000  }
0x3: {  	_ = 	snop  }
0x4: {  	_ = 	snop  }
0x5: {  	_ = 	snop  }
0x6: {  	_ = 	snop  }
0x7: {  	_ = 	snop  }
__scs_overlays_trampoline_lowered:
0x8: {  	[smem:$0x3FAD] =	sst s0  }
0x9: {  	[smem:$0x3FAE] =	sst s1  }
0xa: {  	[smem:$0x3FAF] =	sst s2  }
0xb: {  	[smem:$0x3FB0] =	sst s3  }
0xc: {  	[smem:$0x3FB1] =	sst s4  }
0xd: {  	[smem:$0x3FB2] =	sst s5  }
0xe: {  	[smem:$0x3FB3] =	sst s6  }
0xf: {  	[smem:$0x3FB4] =	sst s7  }
0x10: {  	[smem:$0x3FB5] =	sst s8  }
0x11: {  	[smem:$0x3FB6] =	sst s9;
	s0 =	simm.s32 @!p0 $0x0  }
0x12: {  	s1 =	sld [smem:$0x3F9C];
	s0 =	simm.s32 @p0 $0x1  }
0x13: {  	[smem:$0x3FB7] =	sst s0;
	s0 =	simm.s32 @!p1 $0x0  }
0x14: {  	s2 =	sld [smem:$0x3F9B];
	s0 =	simm.s32 @p1 $0x1  }
0x15: {  	[smem:$0x3FB8] =	sst s0;
	s0 =	simm.s32 @!p2 $0x0  }
0x16: {  	s3 =	sld [smem:$0x3FDB];
	s0 =	simm.s32 @p2 $0x1  }
0x17: {  	s4 =	simm.s32 $0x1BF5;
	[smem:$0x3FBA] =	sst s0  }
0x18: {  	s0 =	sld [smem:$0x3F9D];
	_ =	swait.ge [sflag:s4], $0x0  }
0x19: {  	s7 =	sld [smem:$0x3F9E]  }
0x1a: {  	s8 =	sadd.s32 $0xFFFFE003, lr  }
0x1b: {  	s9 =	sadd.s32 $0xFFFFFEF7, lr;
	s5 =	simm.s32 $0xFFFFFFFF;
	p2 =	slt.u32 s8, $0xFFFFF086  }
0x1c: {  	p1 =	slt.u32 s9, $0xF7A;
	s5 =	simm.s32 @!p2 $0x0  }
0x1d: {  	s5 =	simm.s32 @p1 $0x1;
	p0 =	seq.s32 s7, s2  }
0x1e: {  	s7 =	smul.u32 @!p0 $0xF7A, s2;
	p2 =	seq.s32 @!p0 s5, $0x0  }
0x1f: {  	s9 =	smul.u32 $0xF7A, s1;
	s8 =	simm.s32 @!p0 $0x1BF5;
	p2 =	por !p2, p0  }
0x20: {  	[sflag:s8] =	ssyncset.s32 @!p0 $0xFFFFF086;
	s6 =	sadd.s32 @!p0 s3, s7;
	s7 =	simm.s32 @!p0 $0x108  }
0x21: {  	s3 =	sadd.s32 s3, s9;
	s6 =	sadd.s32 @!p0 $0x88, s6;
	s7 =	simm.s32 @p2 $0x1082  }
0x22: {  	[simem:s7], [sflag:s8] =	dma.local @!p0 [hbm:s6], $0xF7A  }
0x23: {  	s9 =	sor.u32 $0xD0000000, s2;
	s6 =	simm.s32 $0x108;
	_ =	swait.ge @!p0 [sflag:s8], $0x0  }
0x24: {  	s3 =	sadd.s32 $0x88, s3;
	s6 =	simm.s32 @!p1 $0x1082;
	[sflag:s4] =	ssyncset.s32 $0xFFFFF086  }
0x25: {  	[simem:s6], [sflag:s4] =	dma.local [hbm:s3], $0xF7A  }
0x26: {  	[smem:$0x3F9E] =	sst s1;
	(tag) =	ssettag s2;
	_ =	strace s9  }
0x27: {  	s1 =	sld [smem:$0x3FAE]  }
0x28: {  	s2 =	sld [smem:$0x3FAF]  }
0x29: {  	s4 =	sld [smem:$0x3FB1]  }
0x2a: {  	p0 =	seq.s32 s5, $0x0;
	s5 =	sld [smem:$0x3FB2]  }
0x2b: {  	s6 =	sld [smem:$0x3FB3]  }
0x2c: {  	s7 =	sld [smem:$0x3FB4]  }
0x2d: {  	s3 =	simm.s32 $0x108;
	s8 =	sld [smem:$0x3FB5]  }
0x2e: {  	s3 =	simm.s32 @!p0 $0x1082;
	s9 =	sld [smem:$0x3FB6]  }
0x2f: {  	lr =	sadd.s32 s0, s3;
	s0 =	sld [smem:$0x3FAD]  }
0x30: {  	s3 =	sld [smem:$0x3FB0]  }
0x31: {  	[smem:$0x3FB9] =	sst s10  }
0x32: {  	s10 =	sld [smem:$0x3FB7];
	_ =	sdelay $0x3  }
0x33: {  	p0 =	seq.s32 s10, $0x1;
	s10 =	sld [smem:$0x3FB9];
	_ =	sdelay $0x3  }
0x34: {  	[smem:$0x3FB9] =	sst s10  }
0x35: {  	s10 =	sld [smem:$0x3FB8];
	_ =	sdelay $0x3  }
0x36: {  	p1 =	seq.s32 s10, $0x1;
	s10 =	sld [smem:$0x3FB9];
	_ =	sdelay $0x3  }
0x37: {  	[smem:$0x3FB9] =	sst s10  }
0x38: {  	s10 =	sld [smem:$0x3FBA]  }
0x39: {  	_ = 	snop;
	(pc) =	sbr.ind lr, $3  }
0x3a: {  	_ = 	snop  }
0x3b: {  	_ = 	snop  }
0x3c: {  	p2 =	seq.s32 s10, $0x1;
	s10 =	sld [smem:$0x3FB9]  }
0x3d: {  	_ =	shalt  }
0x3e: {  	_ =	shalt  }
0x3f: {  	_ =	shalt  }
0x40: {  	_ =	shalt  }
0x41: {  	_ =	shalt  }
0x42: {  	_ =	shalt  }
0x43: {  	_ =	shalt  }
0x44: {  	_ =	shalt  }
0x45: {  	_ =	shalt  }
0x46: {  	_ =	shalt  }
0x47: {  	_ =	shalt  }
0x48: {  	_ =	shalt  }
0x49: {  	_ =	shalt  }
0x4a: {  	_ =	shalt  }
0x4b: {  	_ =	shalt  }
0x4c: {  	_ =	shalt  }
0x4d: {  	_ =	shalt  }
0x4e: {  	_ =	shalt  }
0x4f: {  	_ =	shalt  }
0x50: {  	_ =	shalt  }
0x51: {  	_ =	shalt  }
0x52: {  	_ =	shalt  }
0x53: {  	_ =	shalt  }
0x54: {  	_ =	shalt  }
0x55: {  	_ =	shalt  }
0x56: {  	_ =	shalt  }
0x57: {  	_ =	shalt  }
0x58: {  	_ =	shalt  }
0x59: {  	_ =	shalt  }
0x5a: {  	_ =	shalt  }
0x5b: {  	_ =	shalt  }
0x5c: {  	_ =	shalt  }
0x5d: {  	_ =	shalt  }
0x5e: {  	_ =	shalt  }
0x5f: {  	_ =	shalt  }
0x60: {  	_ =	shalt  }
0x61: {  	_ =	shalt  }
0x62: {  	_ =	shalt  }
0x63: {  	_ =	shalt  }
0x64: {  	_ =	shalt  }
0x65: {  	_ =	shalt  }
0x66: {  	_ =	shalt  }
0x67: {  	_ =	shalt  }
0x68: {  	_ =	shalt  }
0x69: {  	_ =	shalt  }
0x6a: {  	_ =	shalt  }
0x6b: {  	_ =	shalt  }
0x6c: {  	_ =	shalt  }
0x6d: {  	_ =	shalt  }
0x6e: {  	_ =	shalt  }
0x6f: {  	_ =	shalt  }
0x70: {  	_ =	shalt  }
0x71: {  	_ =	shalt  }
0x72: {  	_ =	shalt  }
0x73: {  	_ =	shalt  }
0x74: {  	_ =	shalt  }
0x75: {  	_ =	shalt  }
0x76: {  	_ =	shalt  }
0x77: {  	_ =	shalt  }
0x78: {  	_ =	shalt  }
0x79: {  	_ =	shalt  }
0x7a: {  	_ =	shalt  }
0x7b: {  	_ =	shalt  }
0x7c: {  	_ =	shalt  }
0x7d: {  	_ =	shalt  }
0x7e: {  	_ =	shalt  }
0x7f: {  	_ =	shalt  }
0x80: {  	_ =	shalt  }
0x81: {  	_ =	shalt  }
0x82: {  	_ =	shalt  }
0x83: {  	_ =	shalt  }
0x84: {  	_ =	shalt  }
0x85: {  	_ =	shalt  }
0x86: {  	_ =	shalt  }
0x87: {  	_ =	shalt  }
.Lfunc_end0:
.L_simem_size_0:
called_computation_lowered:
.L_overlay_start_0:
0x88: {  	s2 =	sld [smem:$0x3FD9]  }
0x89: {  	s3 =	sld [smem:$0x3FFE];
	_ =	sdelay $0x1  }
0x8a: {  	s1 =	srdreg.scid  }
0x8b: {  	s0 =	sand.u32 $0x1, s1  }
0x8c: {  	s17 =	sshll.u32 s0, $0xA;
	s2 =	sadd.s32 s3, s2  }
0x8d: {  	s2 =	sadd.s32 s2, s17  }
0x8e: {  	[smem:$0x3FC5] =	sst s2  }
0x8f: {  	_ = 	snop  }
0x90: {  	s2 =	sld [smem:$0x3FC8]  }
0x91: {  	s18 =	sld [smem:$0x3FD0];
	(tm) =	ssettm $0x1  }
0x92: {  	s4 =	sld [smem:$0x3FFB];
	_ =	sdelay $0x3  }
0x93: {  	_ =	strace s4  }
0x94: {  	s4 =	sld [smem:$0x3FFC];
	_ =	sdelay $0x3  }
0x95: {  	_ =	strace s4  }
0x96: {  	s4 =	sld [smem:$0x3FFD];
	_ =	sdelay $0x3  }
0x97: {  	_ =	strace s4  }
0x98: {  	_ =	strace $0x8FFFFFFF  }
0x99: {  	s19 =	sld [smem:$0x3FDB];
	_ =	sdelay $0x1  }
0x9a: {  	s5 =	simm.s32 $_scs_section_size  }
0x9b: {  	s6 =	simm.s32 $_size__tile_overlayer_lowered;
	s7 =	simm.s32 $_tile_overlayer_lowered  }
0x9c: {  	s22 =	simm.s32 $0x1BFF;
	s21 =	sshll.u32 s7, $0x1;
	s4 =	sadd.s32 s5, s19  }
0x9d: {  	s8 =	simm.s32 $0x0;
	s20 =	sshll.u32 s6, $0x1;
	s6 =	sadd.s32 s21, s4  }
0x9e: {  	[timem:s8], [sflag:s22] =	dma.local [hbm:s6], s20  }
0x9f: {  	_ =	swait.ge [sflag:s22], s20  }
0xa0: {  	s5 =	ssub.s32 $0x0, s20;
	[sflag:s22] =	ssyncset.done $0x0  }
0xa1: {  	[sflag:s22] =	ssyncadd.s32 s5;
	_ =	sdelay $0x1  }
0xa2: {  	s23 =	simm.s32 $0x1B8B  }
0xa3: {  	_ =	swait.ge [sflag:s23], $0x1  }
0xa4: {  	[sflag:s23] =	ssyncset.done $0x0  }
0xa5: {  	s25 =	simm.s32 $0x1B8E;
	s24 =	sld [smem:$0x3FFE];
	[sflag:s23] =	ssyncadd.s32 $0xFFFFFFFF  }
0xa6: {  	s26 =	simm.s32 $execute0_lowered;
	[smem:$0x3FD2] =	sst s25  }
0xa7: {  	s6 =	sshll.u32 s26, $0x1;
	_ =	strace $0x80000046;
	[dreg:$0x1] =	wrdreg $0xFFFFFFFF  }
0xa8: {  	s28 =	simm.s32 $_size_execute0_lowered;
	s4 =	sadd.s32 s4, s6;
	[dreg:$0x0] =	wrdreg $0x0  }
0xa9: {  	s6 =	sshll.u32 s28, $0x1;
	[dreg:$0x2] =	wrdreg s4  }
0xaa: {  	[dreg:$0x3] =	wrdreg s6  }
0xab: {  	[dreg:$0x4] =	wrdreg $0xC0  }
0xac: {  	_ =	task [dreg:s8], $0x5FFFF  }
0xad: {  	[dreg:$0x1] =	wrdreg $0xFFFFFFFF  }
0xae: {  	[dreg:$0x0] =	wrdreg $0x60  }
0xaf: {  	[dreg:$0x2] =	wrdreg s18  }
0xb0: {  	[dreg:$0x3] =	wrdreg s2  }
0xb1: {  	[dreg:$0x4] =	wrdreg s24  }
0xb2: {  	[dreg:$0x5] =	wrdreg $0x46000  }
0xb3: {  	[dreg:$0x6] =	wrdreg $0x9  }
0xb4: {  	_ =	task.clear_ibuf [dreg:s8], $0x7FFFF;
	_ =	strace $0x90000046  }
0xb5: {  	s29 =	simm.s32 $0x9;
	_ =	strace $0x80000048  }
0xb6: {  	_ =	swait.ge [sflag:s29], $0x1  }
0xb7: {  	[sflag:s29] =	ssyncadd.s32 $0xFFFFFFFF  }
0xb8: {  	_ =	strace $0x90000048  }
0xb9: {  	_ =	sfence  }
0xba: {  	s30 =	sld [smem:$0x0];
	_ =	sdelay $0x2  }
0xbb: {  	s31 =	sshll.u32 s1, $0xD;
	s1 =	sshrl.u32 s1, $0x2  }
0xbc: {  	s3 =	sand.u32 $0x4000, s31;
	s1 =	sadd.s32 s1, s30  }
0xbd: {  	s0 =	sor.u32 s3, s0;
	s1 =	sshll.u32 s1, $0x11  }
0xbe: {  	s0 =	sor.u32 s1, s0  }
0xbf: {  	s0 =	sadd.s32 $0x8F2B, s0  }
0xc0: {  	[sflag:s0] =	ssyncadd.remote.s32 $0x1  }
0xc1: {  	_ =	sfence.sel $0xFFFF  }
0xc2: {  	[dreg:$0x0] =	wrdreg $0xFFFFFFFF;
	(pc) =	sbr.abs _section_cstart, $3  }
0xc3: {  	[dreg:$0x1] =	wrdreg $0xFFFFFFFF  }
0xc4: {  	_ =	task.clear_ibuf [dreg:s8], $0x2FFFF;
	_ =	strace $0x9FFFFFFF  }
0xc5: {  	(tm) =	ssettm $0x7FFFFFFF  }
tec
execute0_lowered:
.L_overlay_start_1:
0x0: {  	(tag) =	ssettag $0x1  }
0x1: {  	s1 =	rddreg [dreg:$0x0]  }
0x2: {  	s0 =	rddreg [dreg:$0x1]  }
0x3: {  	s2 =	rddreg [dreg:$0x2];
	s4 =	srdreg.scid  }
0x4: {  	s3 =	rddreg [dreg:$0x3];
	s13 =	stileid.u32;
	s17 =	simm.s32 $0x200  }
0x5: {  	s18 =	simm.s32 $0x500;
	s20 =	simm.s32 $0x80;
	s21 =	simm.s32 $0x1600  }
0x6: {  	s22 =	simm.s32 $0x2;
	s24 =	simm.s32 $0x2600;
	s7 =	smul.u32 $0xC4, s13  }
0x7: {  	s28 =	simm.s32 $0x3600;
	s29 =	simm.s32 $0x3;
	s9 =	smul.u32 $0x3100, s13  }
0x8: {  	s30 =	simm.s32 $0x100;
	s31 =	simm.s32 $0x180;
	s11 =	smul.u32 $0x1880, s13  }
0x9: {  	s5 =	sand.u32 $0x1, s4;
	s4 =	simm.s32 $0x0;
	s15 =	smul.u32 $0x61C00, s13  }
0xa: {  	s6 =	smul.u32 $0x30E00, s5;
	[smem:$0x7FF] =	sst s4;
	s8 =	ssub.s32 $0x2, s5  }
0xb: {  	s5 =	sadd.s32 $0x600, s2;
	_ =	strace $0x80000047;
	s10 =	sshrl.u32 s8, $0x1  }
0xc: {  	s9 =	sadd.s32 s0, s9;
	s11 =	sadd.s32 s5, s11;
	s12 =	sor.u32 $0x1, s7  }
0xd: {  	s25 =	sshrl.u32 s15, $0x2;
	s15 =	simm.s32 $0x6;
	[dreg:$0x5] =	wrdreg s9  }
0xe: {  	s2 =	sadd.s32 s6, s2;
	s8 =	ssub.s32 s8, s10;
	[dreg:$0x6] =	wrdreg s11  }
0xf: {  	s14 =	sshll.u32 s12, $0x6;
	s9 =	sshll.u32 s12, $0x5;
	s12 =	smul.u32 $0x18700, s13  }
0x10: {  	s11 =	sor.u32 $0x2, s7;
	s13 =	sadd.s32 s25, s3;
	s7 =	simm.s32 $0x0  }
0x11: {  	s10 =	sadd.s32 s0, s14;
	s9 =	sadd.s32 s5, s9;
	s16 =	sadd.s32 $0x18E00, s2  }
0x12: {  	s8 =	smax.u32 s8, $0x1;
	s14 =	simm.s32 $0x600;
	[dreg:$0x7] =	wrdreg s10  }
.Ltmp0:
0x13: {  	s2 =	simm.s32 $0x300;
	[dreg:$0x8] =	wrdreg s9;
	(pc) =	sbr.rel .LBB2_1-.Ltmp0, $4  }
0x14: {  	s10 =	sadd.s32 s1, s6;
	s19 =	sshrl.u32 s12, $0x3;
	s23 =	sadd.s32 s12, s3  }
0x15: {  	[dreg:$0x9] =	wrdreg s8;
	s6 =	simm.s32 $0x380;
	s1 =	sadd.s32 s19, s16  }
0x16: {  	s26 =	sshrl.u32 s23, $0x3;
	s16 =	simm.s32 $0x4;
	[dreg:$0xa] =	wrdreg s1  }
0x17: {  	v0 =	vimm.f32 $0.0e+00;
	[dreg:$0xb] =	wrdreg s26;
	s26 =	simm.s32 $0x280;
	s1 =	simm.s32 $0x5  }
.LBB2_12:
0x18: {  	s8 =	stileid.u32;
	[bflag:$0x0] =	sbarrier.arrive $0xFFFF  }
0x19: {  	s8 =	sshll.u32 s8, $0x6;
	s9 =	rddreg [dreg:$0xa]  }
0x1a: {  	s12 =	rddreg [dreg:$0xb];
	s8 =	sor.u32 $0x1C06, s8  }
0x1b: {  	[hbm:s9], [sflag:s8] =	dma.local [spmem:s12], $0x30E0  }
0x1c: {  	_ =	swait.ge [sflag:s15], $0x30E0  }
0x1d: {  	s7 =	sadd.s32 $0x1, s7;
	s25 =	rddreg [dreg:$0x9]  }
0x1e: {  	p0 =	sne.s32 s7, s25  }
.Ltmp1:
0x1f: {  	_ = 	snop;
	(pc) =	sbr.rel @!p0 .LBB2_13-.Ltmp1, $3  }
0x20: {  	_ =	sdelay $0x1  }
0x21: {  	[sflag:s15] =	ssyncset.done $0x0  }
0x22: {  	[sflag:s15] =	ssyncadd.s32 $0xFFFFCF20  }
.LBB2_1:
0x23: {  	s8 =	simm.s32 $0x0  }
.LBB2_2:
0x24: {  	p0 =	sne.s32 s8, $0x4380  }
.Ltmp2:
0x25: {  	_ = 	snop;
	(pc) =	sbr.rel @p0 .LBB2_2-.Ltmp2, $4  }
0x26: {  	_ = 	snop  }
0x27: {  	s9 =	sshra.s32 s8, $0x2  }
0x28: {  	[tilespmem:s9+$0x600] =	vst v0  }
0x29: {  	s8 =	sadd.s32 $0x80, s8;
	[tilespmem:s9+$0x610] =	vst v0  }
0x2a: {  	s8 =	sadd.s32 $0x0, s13  }
0x2b: {  	[spmem:s8] =	stream.linear.scatter [tilespmem:s14], [sflag:$0x6], $0x1100, $0x38;
	[tilespmem:$0x1CD00] =	vst v63  }
0x2c: {  	s8 =	simm.s32 $0x4400;
	_ =	swait.ge [sflag:s15], $0x1100  }
.LBB2_4:
0x2d: {  	s9 =	sshra.s32 s8, $0x2;
	[sflag:s15] =	ssyncset.done $0x0;
	p0 =	sne.s32 s8, $0x5D800  }
.Ltmp3:
0x2e: {  	s9 =	sadd.s32 s9, s13;
	[sflag:s15] =	ssyncadd.s32 $0xFFFFEF00;
	(pc) =	sbr.rel @p0 .LBB2_4-.Ltmp3, $3  }
0x2f: {  	[spmem:s9] =	stream.linear.scatter [tilespmem:s14], [sflag:$0x6], $0x1100, $0x38;
	[tilespmem:$0x1CD00] =	vst v63  }
0x30: {  	s8 =	sadd.s32 $0x4400, s8;
	_ =	sdelay $0x1  }
0x31: {  	_ =	swait.ge [sflag:s15], $0x1100  }
0x32: {  	[sflag:s15] =	ssyncset.done $0x0  }
0x33: {  	[sflag:s15] =	ssyncadd.s32 $0xFFFFEF00  }
0x34: {  	[bflag:$0x0] =	sbarrier.arrive $0xFFFF  }
0x35: {  	s8 =	simm.s32 $0x0;
	s9 =	rddreg [dreg:$0x5]  }
0x36: {  	[tilespmem:s8], [sflag:$0x1] =	stream.linear.gather [hbm4b:s9+s8], $0x200, $0x38;
	[tilespmem:$0x1CD00] =	vst v63  }
0x37: {  	s12 =	simm.s32 $0x400;
	s25 =	rddreg [dreg:$0x6]  }
0x38: {  	[tilespmem:s12], [sflag:$0x1] =	stream.linear.gather [hbm4b:s25+s8], $0x100, $0x38;
	[tilespmem:$0x1CD00] =	vst v63  }
0x39: {  	s19 =	rddreg [dreg:$0x7]  }
0x3a: {  	[tilespmem:s17], [sflag:$0x2] =	stream.linear.gather [hbm4b:s19+s8], $0x200, $0x38;
	[tilespmem:$0x1CD00] =	vst v63  }
0x3b: {  	s23 =	rddreg [dreg:$0x8];
	s25 =	simm.s32 $0x1  }
0x3c: {  	[tilespmem:s18], [sflag:$0x2] =	stream.linear.gather [hbm4b:s23+s8], $0x100, $0x38;
	[tilespmem:$0x1CD00] =	vst v63  }
0x3d: {  	_ =	swait.ge [sflag:s25], $0x200  }
0x3e: {  	[sflag:s25] =	ssyncset.done $0x0  }
0x3f: {  	[sflag:s25] =	ssyncadd.s32 $0xFFFFFE00  }
0x40: {  	_ =	swait.ge [sflag:s25], $0x100  }
0x41: {  	[sflag:s25] =	ssyncset.done $0x0  }
0x42: {  	[sflag:s25] =	ssyncadd.s32 $0xFFFFFF00  }
0x43: {  	[tilespmem:s14], [sflag:$0x3] =	stream.indirect.gather [hbm4b:s10+s20], $0x20, s8, s20, $0xb8;
	[tilespmem:$0x1CD00] =	vst v63  }
0x44: {  	_ = 	snop  }
0x45: {  	[tilespmem:s21], [sflag:$0x3] =	stream.indirect.gather [hbm4b:s10+s20], $0x20, s20, s20, $0xb8;
	[tilespmem:$0x1CD00] =	vst v63  }
.LBB2_6:
0x46: {  	_ =	swait.ge [sflag:s22], $0x200  }
0x47: {  	[sflag:s22] =	ssyncset.done $0x0  }
0x48: {  	[sflag:s22] =	ssyncadd.s32 $0xFFFFFE00  }
0x49: {  	_ =	swait.ge [sflag:s22], $0x100  }
0x4a: {  	[sflag:s22] =	ssyncset.done $0x0  }
0x4b: {  	[sflag:s22] =	ssyncadd.s32 $0xFFFFFF00  }
0x4c: {  	[tilespmem:s24], [sflag:$0x4] =	stream.indirect.gather [hbm4b:s10+s20], $0x20, s17, s20, $0xb8;
	[tilespmem:$0x1CD00] =	vst v63  }
0x4d: {  	_ = 	snop  }
0x4e: {  	[tilespmem:s28], [sflag:$0x4] =	stream.indirect.gather [hbm4b:s10+s20], $0x20, s26, s20, $0xb8;
	[tilespmem:$0x1CD00] =	vst v63  }
0x4f: {  	_ =	swait.ge [sflag:s29], $0x1000  }
0x50: {  	[sflag:s29] =	ssyncset.done $0x0  }
0x51: {  	[sflag:s29] =	ssyncadd.s32 $0xFFFFF000  }
0x52: {  	_ =	swait.ge [sflag:s29], $0x1000  }
0x53: {  	[sflag:s29] =	ssyncset.done $0x0  }
0x54: {  	s9 =	simm.s32 $0x700;
	[sflag:s29] =	ssyncadd.s32 $0xFFFFF000  }
0x55: {  	v6 =	vld [tilespmem:s9+$0xFFFFFFA0]  }
0x56: {  	v4 =	vld [tilespmem:s9+$0xFFFFFFF0]  }
0x57: {  	v1 =	vld [tilespmem:s9+$0xFFFFFF60]  }
0x58: {  	v7 =	vld [tilespmem:s9+$0xFFFFFFD0]  }
0x59: {  	v8 =	vld [tilespmem:s9+$0x80]  }
0x5a: {  	v11 =	vld [tilespmem:s9+$0xFFFFFF10]  }
0x5b: {  	v15 =	vld [tilespmem:s9+$0xE0]  }
0x5c: {  	v10 =	vld [tilespmem:s9+$0xFFFFFF40]  }
0x5d: {  	s12 =	simm.s32 $0x0;
	v2 =	vld [tilespmem:s9+$0xFFFFFF90]  }
0x5e: {  	v3 =	vld [tilespmem:s12+$0x400]  }
0x5f: {  	v9 =	vld [tilespmem:s9+$0xFFFFFFC0]  }
0x60: {  	v12 =	vld [tilespmem:s9+$0xFFFFFF00]  }
0x61: {  	v13 =	vld [tilespmem:s9+$0xD0]  }
0x62: {  	v22 =	vld [tilespmem:s9+$0xC0]  }
0x63: {  	v20 =	vld [tilespmem:s9+$0x90];
	v18 =	vbroadcast v3, $0x0;
	v5 =	vbroadcast v3, $0xF  }
0x64: {  	v21 =	vld [tilespmem:s9+$0xFFFFFF50];
	v19 =	vbroadcast v3, $0x2;
	v17 =	vbroadcast v3, $0xE  }
0x65: {  	v16 =	vld [tilespmem:s9+$0xB0];
	v14 =	vbroadcast v3, $0xC;
	v24 =	vmul.f32 v18, v12  }
0x66: {  	s23 =	simm.s32 $0x700;
	s12 =	simm.s32 $0x40;
	v12 =	vbroadcast v3, $0xD;
	v23 =	vmul.f32 v10, v19;
	v10 =	vld [tilespmem:s9+$0x60]  }
.LBB2_7:
0x67: {  	p0 =	sne.s32 s12, $0x3C0  }
0x68: {  	[tilespmem:s9+$0xFFFFFF00] =	vst v24;
	v24 =	vld [tilespmem:s9+$0xFFFFFFB0];
	v22 =	vmul.f32 v22, v17;
	v15 =	vmul.f32 v15, v5;
	s23 =	sadd.s32 $0x200, s23;
	s25 =	smov.u32 s12;
	s12 =	sadd.s32 $0x40, s12  }
0x69: {  	[tilespmem:s9+$0xFFFFFF40] =	vst v23;
	v23 =	vbroadcast v3, $0xA;
	v20 =	vmul.f32 v20, v14;
	v25 =	vld [tilespmem:s9+$0xA0]  }
0x6a: {  	v11 =	vmul.f32 v11, v18;
	v18 =	vmul.f32 v21, v19;
	v19 =	vld [tilespmem:s9+$0x70];
	[tilespmem:s9+$0xE0] =	vst v15  }
0x6b: {  	v15 =	vbroadcast v3, $0x5;
	v21 =	vld [tilespmem:s9+$0xFFFFFFE0];
	v16 =	vmul.f32 v16, v12;
	[tilespmem:s9+$0xC0] =	vst v22  }
0x6c: {  	v13 =	vmul.f32 v13, v17;
	[tilespmem:s9+$0xFFFFFF10] =	vst v11;
	v11 =	vbroadcast v3, $0x6;
	v22 =	vld [tilespmem:s9+$0x40]  }
0x6d: {  	v26 =	vbroadcast v3, $0xB;
	v6 =	vmul.f32 v6, v15;
	v17 =	vld [tilespmem:s9+$0xFFFFFF20];
	[tilespmem:s9+$0x90] =	vst v20  }
0x6e: {  	v20 =	vbroadcast v3, $0x9;
	[tilespmem:s9+$0xFFFFFF50] =	vst v18;
	v18 =	vld [tilespmem:s9+$0x20];
	v12 =	vmul.f32 v25, v12  }
0x6f: {  	v15 =	vmul.f32 v24, v15;
	v24 =	vld [tilespmem:s9+$0x50];
	v19 =	vmul.f32 v19, v26;
	[tilespmem:s9+$0xD0] =	vst v13  }
0x70: {  	v8 =	vmul.f32 v8, v14;
	v13 =	vbroadcast v3, $0x7;
	v25 =	vld [tilespmem:s9+$0x30];
	[tilespmem:s9+$0xA0] =	vst v12  }
0x71: {  	v9 =	vmul.f32 v9, v11;
	v12 =	vbroadcast v3, $0x3;
	v14 =	vld [tilespmem:s9+$0x0];
	[tilespmem:s9+$0x70] =	vst v19  }
0x72: {  	v10 =	vmul.f32 v10, v26;
	v7 =	vmul.f32 v7, v11;
	v11 =	vld [tilespmem:s9+$0x10];
	[tilespmem:s9+$0x80] =	vst v8  }
0x73: {  	v19 =	vbroadcast v3, $0x8;
	v22 =	vmul.f32 v22, v23;
	v8 =	vld [tilespmem:s9+$0xFFFFFF30];
	[tilespmem:s9+$0xB0] =	vst v16  }
0x74: {  	v16 =	vbroadcast v3, $0x1;
	v26 =	vld [tilespmem:s9+$0xFFFFFF70];
	[tilespmem:s9+$0xFFFFFFD0] =	vst v7;
	v23 =	vmul.f32 v24, v23  }
0x75: {  	v4 =	vmul.f32 v4, v13;
	v7 =	vmul.f32 v21, v13;
	[tilespmem:s9+$0xFFFFFFC0] =	vst v9;
	v9 =	vld [tilespmem:s9+$0xF0]  }
0x76: {  	v21 =	vmul.f32 v25, v20;
	v13 =	vld [tilespmem:s9+$0xFFFFFF80];
	[tilespmem:s9+$0xFFFFFFA0] =	vst v6;
	v14 =	vmul.f32 v14, v19  }
0x77: {  	v6 =	vld [tilespmem:s23+$0xFFFFFFA0];
	[tilespmem:s9+$0xFFFFFFF0] =	vst v4;
	v19 =	vmul.f32 v11, v19;
	v11 =	vmul.f32 v18, v20  }
0x78: {  	v4 =	vmul.f32 v17, v16;
	v16 =	vmul.f32 v8, v16;
	[tilespmem:s9+$0x60] =	vst v10  }
0x79: {  	v1 =	vmul.f32 v1, v12;
	v8 =	vmul.f32 v26, v12;
	[tilespmem:s9+$0xFFFFFFB0] =	vst v15  }
0x7a: {  	v3 =	vbroadcast v3, $0x4;
	[tilespmem:s9+$0xFFFFFF20] =	vst v4;
	v4 =	vmul.f32 v9, v5  }
0x7b: {  	[tilespmem:s9+$0xFFFFFF60] =	vst v1  }
0x7c: {  	v5 =	vmul.f32 v13, v3;
	v1 =	vmul.f32 v2, v3;
	[tilespmem:s9+$0x40] =	vst v22  }
0x7d: {  	[tilespmem:s9+$0xFFFFFFE0] =	vst v7  }
0x7e: {  	[tilespmem:s9+$0xF0] =	vst v4  }
0x7f: {  	[tilespmem:s9+$0xFFFFFF90] =	vst v1  }
0x80: {  	v4 =	vld [tilespmem:s23+$0xFFFFFFF0];
	[tilespmem:s9+$0xFFFFFF70] =	vst v8  }
0x81: {  	v1 =	vld [tilespmem:s23+$0xFFFFFF60];
	[tilespmem:s9+$0x20] =	vst v11  }
0x82: {  	v7 =	vld [tilespmem:s23+$0xFFFFFFD0];
	[tilespmem:s9+$0x30] =	vst v21  }
0x83: {  	v8 =	vld [tilespmem:s23+$0x80];
	[tilespmem:s9+$0xFFFFFF80] =	vst v5  }
0x84: {  	v11 =	vld [tilespmem:s23+$0xFFFFFF10];
	[tilespmem:s9+$0x50] =	vst v23  }
0x85: {  	v15 =	vld [tilespmem:s23+$0xE0];
	[tilespmem:s9+$0x0] =	vst v14  }
0x86: {  	v10 =	vld [tilespmem:s23+$0xFFFFFF40];
	[tilespmem:s9+$0xFFFFFF30] =	vst v16  }
0x87: {  	s19 =	sshra.s32 s25, $0x2;
	v2 =	vld [tilespmem:s23+$0xFFFFFF90];
	[tilespmem:s9+$0x10] =	vst v19;
	s9 =	smov.u32 s23  }
0x88: {  	v3 =	vld [tilespmem:s19+$0x400]  }
0x89: {  	v9 =	vld [tilespmem:s23+$0xFFFFFFC0]  }
0x8a: {  	v12 =	vld [tilespmem:s23+$0xFFFFFF00]  }
0x8b: {  	v13 =	vld [tilespmem:s23+$0xD0]  }
.Ltmp4:
0x8c: {  	v22 =	vld [tilespmem:s23+$0xC0];
	(pc) =	sbr.rel @p0 .LBB2_7-.Ltmp4, $4  }
0x8d: {  	v18 =	vbroadcast v3, $0x0;
	v20 =	vld [tilespmem:s23+$0x90];
	v5 =	vbroadcast v3, $0xF  }
0x8e: {  	v19 =	vbroadcast v3, $0x2;
	v17 =	vbroadcast v3, $0xE;
	v21 =	vld [tilespmem:s23+$0xFFFFFF50]  }
0x8f: {  	v24 =	vmul.f32 v18, v12;
	v12 =	vbroadcast v3, $0xD;
	v16 =	vld [tilespmem:s23+$0xB0]  }
0x90: {  	v14 =	vbroadcast v3, $0xC;
	v23 =	vmul.f32 v10, v19;
	v10 =	vld [tilespmem:s23+$0x60]  }
0x91: {  	[tilespmem:s9+$0xFFFFFF00] =	vst v24;
	v15 =	vmul.f32 v15, v5  }
0x92: {  	v22 =	vmul.f32 v22, v17;
	[tilespmem:s9+$0xFFFFFF40] =	vst v23  }
0x93: {  	v11 =	vmul.f32 v11, v18;
	[tilespmem:s9+$0xE0] =	vst v15  }
0x94: {  	v18 =	vld [tilespmem:s9+$0x70];
	v8 =	vmul.f32 v8, v14;
	[tilespmem:s9+$0xC0] =	vst v22  }
0x95: {  	v15 =	vmul.f32 v20, v14;
	v19 =	vmul.f32 v21, v19;
	[tilespmem:s9+$0xFFFFFF10] =	vst v11  }
0x96: {  	v23 =	vld [tilespmem:s9+$0xA0];
	v11 =	vmul.f32 v13, v17;
	v17 =	vbroadcast v3, $0xB;
	[tilespmem:s9+$0x80] =	vst v8  }
0x97: {  	[tilespmem:s9+$0x90] =	vst v15  }
0x98: {  	v8 =	vbroadcast v3, $0x7;
	[tilespmem:s9+$0xFFFFFF50] =	vst v19;
	v10 =	vmul.f32 v10, v17  }
0x99: {  	[tilespmem:s9+$0xD0] =	vst v11;
	v18 =	vmul.f32 v18, v17  }
0x9a: {  	v13 =	vld [tilespmem:s9+$0xFFFFFF20];
	v4 =	vmul.f32 v4, v8;
	[tilespmem:s9+$0x60] =	vst v10  }
0x9b: {  	v11 =	vbroadcast v3, $0x6;
	v19 =	vmul.f32 v23, v12;
	[tilespmem:s9+$0x70] =	vst v18  }
0x9c: {  	v15 =	vld [tilespmem:s9+$0xFFFFFFE0];
	v12 =	vmul.f32 v16, v12;
	[tilespmem:s9+$0xFFFFFFF0] =	vst v4  }
0x9d: {  	v20 =	vld [tilespmem:s9+$0xFFFFFFB0];
	v17 =	vbroadcast v3, $0x1;
	v7 =	vmul.f32 v7, v11;
	[tilespmem:s9+$0xA0] =	vst v19  }
0x9e: {  	v16 =	vbroadcast v3, $0x5;
	v9 =	vmul.f32 v9, v11;
	[tilespmem:s9+$0xB0] =	vst v12  }
0x9f: {  	v13 =	vmul.f32 v13, v17;
	[tilespmem:s9+$0xFFFFFFD0] =	vst v7  }
0xa0: {  	v21 =	vld [tilespmem:s9+$0x40];
	v6 =	vmul.f32 v6, v16;
	[tilespmem:s9+$0xFFFFFFC0] =	vst v9  }
0xa1: {  	v19 =	vld [tilespmem:s9+$0xF0];
	[tilespmem:s9+$0xFFFFFF20] =	vst v13;
	v8 =	vmul.f32 v15, v8;
	v13 =	vbroadcast v3, $0x4  }
0xa2: {  	v12 =	vld [tilespmem:s9+$0xFFFFFF70];
	[tilespmem:s9+$0xFFFFFFA0] =	vst v6;
	v6 =	vmul.f32 v20, v16;
	v16 =	vbroadcast v3, $0x3  }
0xa3: {  	v14 =	vld [tilespmem:s9+$0x20];
	v4 =	vbroadcast v3, $0xA;
	v2 =	vmul.f32 v2, v13;
	[tilespmem:s9+$0xFFFFFFE0] =	vst v8  }
0xa4: {  	v18 =	vld [tilespmem:s9+$0x30];
	v1 =	vmul.f32 v1, v16;
	[tilespmem:s9+$0xFFFFFFB0] =	vst v6  }
0xa5: {  	v7 =	vld [tilespmem:s9+$0xFFFFFF80];
	v6 =	vmul.f32 v21, v4;
	[tilespmem:s9+$0xFFFFFF90] =	vst v2  }
0xa6: {  	v22 =	vld [tilespmem:s9+$0x50];
	[tilespmem:s9+$0xFFFFFF60] =	vst v1;
	v1 =	vmul.f32 v19, v5;
	v5 =	vbroadcast v3, $0x9  }
0xa7: {  	v11 =	vld [tilespmem:s9+$0x0];
	[tilespmem:s9+$0x40] =	vst v6;
	v6 =	vmul.f32 v12, v16  }
0xa8: {  	v10 =	vld [tilespmem:s9+$0xFFFFFF30];
	[tilespmem:s9+$0xF0] =	vst v1;
	v1 =	vmul.f32 v14, v5  }
0xa9: {  	v9 =	vld [tilespmem:s9+$0x10];
	v2 =	vmul.f32 v18, v5;
	[tilespmem:s9+$0xFFFFFF70] =	vst v6  }
0xaa: {  	v3 =	vbroadcast v3, $0x8;
	v5 =	vmul.f32 v7, v13;
	[tilespmem:s9+$0x20] =	vst v1  }
0xab: {  	v1 =	vmul.f32 v22, v4;
	[tilespmem:s9+$0x30] =	vst v2  }
0xac: {  	v2 =	vmul.f32 v11, v3;
	[tilespmem:s9+$0xFFFFFF80] =	vst v5  }
0xad: {  	v4 =	vmul.f32 v10, v17;
	[tilespmem:s9+$0x50] =	vst v1  }
0xae: {  	v1 =	vmul.f32 v9, v3;
	[tilespmem:s9+$0x0] =	vst v2  }
0xaf: {  	[tilespmem:s9+$0xFFFFFF30] =	vst v4  }
0xb0: {  	[tilespmem:s9+$0x10] =	vst v1  }
0xb1: {  	[spmem:s3] =	stream.indirect.scatter.add.f32 [tilespmem:s14], [sflag:$0x5], $0x20, s30, s20, $0xb8;
	[tilespmem:$0x1CD00] =	vst v63  }
0xb2: {  	_ = 	snop  }
0xb3: {  	[spmem:s3] =	stream.indirect.scatter.add.f32 [tilespmem:s21], [sflag:$0x5], $0x20, s31, s20, $0xb8;
	[tilespmem:$0x1CD00] =	vst v63  }
0xb4: {  	_ =	swait.ge [sflag:s1], $0x1000  }
0xb5: {  	p0 =	seq.s32 s8, $0x61;
	[sflag:s1] =	ssyncset.done $0x0  }
0xb6: {  	s9 =	sshll.u32 @!p0 s8, $0x1;
	[sflag:s1] =	ssyncadd.s32 $0xFFFFF000  }
0xb7: {  	s9 =	sadd.s32 @!p0 s9, s11;
	_ =	swait.ge [sflag:s1], $0x1000  }
0xb8: {  	s19 =	simm.s32 @!p0 $0x0;
	s12 =	sshll.u32 @!p0 s9, $0x6;
	[sflag:s1] =	ssyncset.done $0x0  }
0xb9: {  	s9 =	sshll.u32 @!p0 s9, $0x5;
	s12 =	sadd.s32 @!p0 s0, s12;
	[sflag:s1] =	ssyncadd.s32 $0xFFFFF000  }
0xba: {  	[tilespmem:s19], [sflag:$0x1] =	stream.linear.gather @!p0 [hbm4b:s12+s19], $0x200, $0x38;
	[tilespmem:$0x1CD00] =	vst v63  }
0xbb: {  	s9 =	sadd.s32 @!p0 s5, s9;
	s12 =	simm.s32 @!p0 $0x400  }
0xbc: {  	[tilespmem:s12], [sflag:$0x1] =	stream.linear.gather @!p0 [hbm4b:s9+s19], $0x100, $0x38;
	[tilespmem:$0x1CD00] =	vst v63  }
0xbd: {  	s9 =	sshllo.u32 @!p0 s8, $0x1  }
0xbe: {  	p1 =	sgt.u32 @!p0 s9, $0xC2  }
0xbf: {  	p1 =	por p1, p0  }
0xc0: {  	s12 =	simm.s32 @!p1 $0x1  }
0xc1: {  	_ =	swait.ge @!p1 [sflag:s12], $0x200  }
0xc2: {  	[sflag:s12] =	ssyncset.done @!p1 $0x0  }
0xc3: {  	[sflag:s12] =	ssyncadd.s32 @!p1 $0xFFFFFE00  }
0xc4: {  	_ =	swait.ge @!p1 [sflag:s12], $0x100  }
0xc5: {  	s19 =	simm.s32 @!p1 $0x0;
	[sflag:s12] =	ssyncset.done @!p1 $0x0  }
0xc6: {  	s23 =	simm.s32 @!p1 $0x600;
	[sflag:s12] =	ssyncadd.s32 @!p1 $0xFFFFFF00;
	s12 =	simm.s32 @!p1 $0x80  }
0xc7: {  	[tilespmem:s23], [sflag:$0x3] =	stream.indirect.gather @!p1 [hbm4b:s10+s12], $0x20, s19, s12, $0xb8;
	[tilespmem:$0x1CD00] =	vst v63  }
0xc8: {  	s19 =	simm.s32 @!p1 $0x1600  }
0xc9: {  	[tilespmem:s19], [sflag:$0x3] =	stream.indirect.gather @!p1 [hbm4b:s10+s12], $0x20, s12, s12, $0xb8;
	[tilespmem:$0x1CD00] =	vst v63  }
0xca: {  	_ =	swait.ge [sflag:s16], $0x1000  }
0xcb: {  	[sflag:s16] =	ssyncset.done $0x0  }
0xcc: {  	[sflag:s16] =	ssyncadd.s32 $0xFFFFF000  }
0xcd: {  	_ =	swait.ge [sflag:s16], $0x1000  }
0xce: {  	[sflag:s16] =	ssyncset.done $0x0  }
0xcf: {  	s12 =	simm.s32 $0x2700;
	[sflag:s16] =	ssyncadd.s32 $0xFFFFF000  }
0xd0: {  	v6 =	vld [tilespmem:s12+$0xFFFFFFA0]  }
0xd1: {  	v4 =	vld [tilespmem:s12+$0xFFFFFFF0]  }
0xd2: {  	v1 =	vld [tilespmem:s12+$0xFFFFFF60]  }
0xd3: {  	v7 =	vld [tilespmem:s12+$0xFFFFFFD0]  }
0xd4: {  	v8 =	vld [tilespmem:s12+$0x80]  }
0xd5: {  	v11 =	vld [tilespmem:s12+$0xFFFFFF10]  }
0xd6: {  	v15 =	vld [tilespmem:s12+$0xE0]  }
0xd7: {  	v10 =	vld [tilespmem:s12+$0xFFFFFF40]  }
0xd8: {  	s25 =	simm.s32 $0x0;
	v2 =	vld [tilespmem:s12+$0xFFFFFF90]  }
0xd9: {  	v3 =	vld [tilespmem:s25+$0x500]  }
0xda: {  	v9 =	vld [tilespmem:s12+$0xFFFFFFC0]  }
0xdb: {  	v12 =	vld [tilespmem:s12+$0xFFFFFF00]  }
0xdc: {  	v13 =	vld [tilespmem:s12+$0xD0]  }
0xdd: {  	v22 =	vld [tilespmem:s12+$0xC0]  }
0xde: {  	v20 =	vld [tilespmem:s12+$0x90];
	v18 =	vbroadcast v3, $0x0;
	v5 =	vbroadcast v3, $0xF  }
0xdf: {  	v21 =	vld [tilespmem:s12+$0xFFFFFF50];
	v19 =	vbroadcast v3, $0x2;
	v17 =	vbroadcast v3, $0xE  }
0xe0: {  	v16 =	vld [tilespmem:s12+$0xB0];
	v14 =	vbroadcast v3, $0xC;
	v24 =	vmul.f32 v18, v12  }
0xe1: {  	s9 =	simm.s32 @p0 $0xC3;
	s23 =	simm.s32 $0x40;
	s25 =	simm.s32 $0x2700;
	v12 =	vbroadcast v3, $0xD;
	v23 =	vmul.f32 v10, v19;
	v10 =	vld [tilespmem:s12+$0x60]  }
.LBB2_9:
0xe2: {  	p1 =	sne.s32 s23, $0x3C0  }
0xe3: {  	[tilespmem:s12+$0xFFFFFF00] =	vst v24;
	v24 =	vld [tilespmem:s12+$0xFFFFFFB0];
	v22 =	vmul.f32 v22, v17;
	v15 =	vmul.f32 v15, v5;
	s25 =	sadd.s32 $0x200, s25;
	s19 =	smov.u32 s23;
	s23 =	sadd.s32 $0x40, s23  }
0xe4: {  	[tilespmem:s12+$0xFFFFFF40] =	vst v23;
	v23 =	vbroadcast v3, $0xA;
	v20 =	vmul.f32 v20, v14;
	v25 =	vld [tilespmem:s12+$0xA0]  }
0xe5: {  	v11 =	vmul.f32 v11, v18;
	v18 =	vmul.f32 v21, v19;
	v19 =	vld [tilespmem:s12+$0x70];
	[tilespmem:s12+$0xE0] =	vst v15  }
0xe6: {  	v15 =	vbroadcast v3, $0x5;
	v21 =	vld [tilespmem:s12+$0xFFFFFFE0];
	v16 =	vmul.f32 v16, v12;
	[tilespmem:s12+$0xC0] =	vst v22  }
0xe7: {  	v13 =	vmul.f32 v13, v17;
	[tilespmem:s12+$0xFFFFFF10] =	vst v11;
	v11 =	vbroadcast v3, $0x6;
	v22 =	vld [tilespmem:s12+$0x40]  }
0xe8: {  	v26 =	vbroadcast v3, $0xB;
	v6 =	vmul.f32 v6, v15;
	v17 =	vld [tilespmem:s12+$0xFFFFFF20];
	[tilespmem:s12+$0x90] =	vst v20  }
0xe9: {  	v20 =	vbroadcast v3, $0x9;
	[tilespmem:s12+$0xFFFFFF50] =	vst v18;
	v18 =	vld [tilespmem:s12+$0x20];
	v12 =	vmul.f32 v25, v12  }
0xea: {  	v15 =	vmul.f32 v24, v15;
	v24 =	vld [tilespmem:s12+$0x50];
	v19 =	vmul.f32 v19, v26;
	[tilespmem:s12+$0xD0] =	vst v13  }
0xeb: {  	v8 =	vmul.f32 v8, v14;
	v13 =	vbroadcast v3, $0x7;
	v25 =	vld [tilespmem:s12+$0x30];
	[tilespmem:s12+$0xA0] =	vst v12  }
0xec: {  	v9 =	vmul.f32 v9, v11;
	v12 =	vbroadcast v3, $0x3;
	v14 =	vld [tilespmem:s12+$0x0];
	[tilespmem:s12+$0x70] =	vst v19  }
0xed: {  	v10 =	vmul.f32 v10, v26;
	v7 =	vmul.f32 v7, v11;
	v11 =	vld [tilespmem:s12+$0x10];
	[tilespmem:s12+$0x80] =	vst v8  }
0xee: {  	v19 =	vbroadcast v3, $0x8;
	v22 =	vmul.f32 v22, v23;
	v8 =	vld [tilespmem:s12+$0xFFFFFF30];
	[tilespmem:s12+$0xB0] =	vst v16  }
0xef: {  	v16 =	vbroadcast v3, $0x1;
	v26 =	vld [tilespmem:s12+$0xFFFFFF70];
	[tilespmem:s12+$0xFFFFFFD0] =	vst v7;
	v23 =	vmul.f32 v24, v23  }
0xf0: {  	v4 =	vmul.f32 v4, v13;
	v7 =	vmul.f32 v21, v13;
	[tilespmem:s12+$0xFFFFFFC0] =	vst v9;
	v9 =	vld [tilespmem:s12+$0xF0]  }
0xf1: {  	v21 =	vmul.f32 v25, v20;
	v13 =	vld [tilespmem:s12+$0xFFFFFF80];
	[tilespmem:s12+$0xFFFFFFA0] =	vst v6;
	v14 =	vmul.f32 v14, v19  }
0xf2: {  	v6 =	vld [tilespmem:s25+$0xFFFFFFA0];
	[tilespmem:s12+$0xFFFFFFF0] =	vst v4;
	v19 =	vmul.f32 v11, v19;
	v11 =	vmul.f32 v18, v20  }
0xf3: {  	v4 =	vmul.f32 v17, v16;
	v16 =	vmul.f32 v8, v16;
	[tilespmem:s12+$0x60] =	vst v10  }
0xf4: {  	v1 =	vmul.f32 v1, v12;
	v8 =	vmul.f32 v26, v12;
	[tilespmem:s12+$0xFFFFFFB0] =	vst v15  }
0xf5: {  	v3 =	vbroadcast v3, $0x4;
	[tilespmem:s12+$0xFFFFFF20] =	vst v4;
	v4 =	vmul.f32 v9, v5  }
0xf6: {  	[tilespmem:s12+$0xFFFFFF60] =	vst v1  }
0xf7: {  	v5 =	vmul.f32 v13, v3;
	v1 =	vmul.f32 v2, v3;
	[tilespmem:s12+$0x40] =	vst v22  }
0xf8: {  	[tilespmem:s12+$0xFFFFFFE0] =	vst v7  }
0xf9: {  	[tilespmem:s12+$0xF0] =	vst v4  }
0xfa: {  	[tilespmem:s12+$0xFFFFFF90] =	vst v1  }
0xfb: {  	v4 =	vld [tilespmem:s25+$0xFFFFFFF0];
	[tilespmem:s12+$0xFFFFFF70] =	vst v8  }
0xfc: {  	v1 =	vld [tilespmem:s25+$0xFFFFFF60];
	[tilespmem:s12+$0x20] =	vst v11  }
0xfd: {  	v7 =	vld [tilespmem:s25+$0xFFFFFFD0];
	[tilespmem:s12+$0x30] =	vst v21  }
0xfe: {  	v8 =	vld [tilespmem:s25+$0x80];
	[tilespmem:s12+$0xFFFFFF80] =	vst v5  }
0xff: {  	v11 =	vld [tilespmem:s25+$0xFFFFFF10];
	[tilespmem:s12+$0x50] =	vst v23  }
0x100: {  	v15 =	vld [tilespmem:s25+$0xE0];
	[tilespmem:s12+$0x0] =	vst v14  }
0x101: {  	v10 =	vld [tilespmem:s25+$0xFFFFFF40];
	[tilespmem:s12+$0xFFFFFF30] =	vst v16  }
0x102: {  	s19 =	sshra.s32 s19, $0x2;
	v2 =	vld [tilespmem:s25+$0xFFFFFF90];
	[tilespmem:s12+$0x10] =	vst v19;
	s12 =	smov.u32 s25  }
0x103: {  	v3 =	vld [tilespmem:s19+$0x500]  }
0x104: {  	v9 =	vld [tilespmem:s25+$0xFFFFFFC0]  }
0x105: {  	v12 =	vld [tilespmem:s25+$0xFFFFFF00]  }
0x106: {  	v13 =	vld [tilespmem:s25+$0xD0]  }
.Ltmp5:
0x107: {  	v22 =	vld [tilespmem:s25+$0xC0];
	(pc) =	sbr.rel @p1 .LBB2_9-.Ltmp5, $4  }
0x108: {  	v18 =	vbroadcast v3, $0x0;
	v20 =	vld [tilespmem:s25+$0x90];
	v5 =	vbroadcast v3, $0xF  }
0x109: {  	v19 =	vbroadcast v3, $0x2;
	v17 =	vbroadcast v3, $0xE;
	v21 =	vld [tilespmem:s25+$0xFFFFFF50]  }
0x10a: {  	v24 =	vmul.f32 v18, v12;
	v12 =	vbroadcast v3, $0xD;
	v16 =	vld [tilespmem:s25+$0xB0]  }
0x10b: {  	v14 =	vbroadcast v3, $0xC;
	v23 =	vmul.f32 v10, v19;
	v10 =	vld [tilespmem:s25+$0x60]  }
0x10c: {  	[tilespmem:s12+$0xFFFFFF00] =	vst v24;
	v15 =	vmul.f32 v15, v5  }
0x10d: {  	v22 =	vmul.f32 v22, v17;
	[tilespmem:s12+$0xFFFFFF40] =	vst v23  }
0x10e: {  	v11 =	vmul.f32 v11, v18;
	[tilespmem:s12+$0xE0] =	vst v15  }
0x10f: {  	v35 =	vmul.f32 v13, v17;
	[tilespmem:s12+$0xC0] =	vst v22  }
0x110: {  	v33 =	vmul.f32 v20, v14;
	[tilespmem:s12+$0xFFFFFF10] =	vst v11  }
0x111: {  	v41 =	vbroadcast v3, $0x6;
	v8 =	vmul.f32 v8, v14;
	[tilespmem:s12+$0xD0] =	vst v35  }
0x112: {  	v19 =	vmul.f32 v21, v19;
	[tilespmem:s12+$0x90] =	vst v33  }
0x113: {  	v45 =	vbroadcast v3, $0x5;
	v7 =	vmul.f32 v7, v41;
	[tilespmem:s12+$0x80] =	vst v8  }
0x114: {  	v47 =	vbroadcast v3, $0x7;
	v9 =	vmul.f32 v9, v41;
	[tilespmem:s12+$0xFFFFFF50] =	vst v19  }
0x115: {  	v54 =	vbroadcast v3, $0x3;
	v6 =	vmul.f32 v6, v45;
	[tilespmem:s12+$0xFFFFFFD0] =	vst v7  }
0x116: {  	v31 =	vld [tilespmem:s12+$0xA0];
	v59 =	vbroadcast v3, $0x4;
	v4 =	vmul.f32 v4, v47;
	[tilespmem:s12+$0xFFFFFFC0] =	vst v9  }
0x117: {  	v32 =	vld [tilespmem:s12+$0x70];
	v1 =	vmul.f32 v1, v54;
	[tilespmem:s12+$0xFFFFFFA0] =	vst v6  }
0x118: {  	v34 =	vld [tilespmem:s12+$0xFFFFFFB0];
	v37 =	vbroadcast v3, $0xB;
	v2 =	vmul.f32 v2, v59;
	[tilespmem:s12+$0xFFFFFFF0] =	vst v4  }
0x119: {  	v36 =	vld [tilespmem:s12+$0xFFFFFF20];
	v43 =	vmul.f32 v16, v12;
	[tilespmem:s12+$0xFFFFFF60] =	vst v1  }
0x11a: {  	v40 =	vld [tilespmem:s12+$0x40];
	v10 =	vmul.f32 v10, v37;
	[tilespmem:s12+$0xFFFFFF90] =	vst v2  }
0x11b: {  	v38 =	vld [tilespmem:s12+$0xFFFFFFE0];
	v39 =	vmul.f32 v31, v12;
	[tilespmem:s12+$0xB0] =	vst v43  }
0x11c: {  	v52 =	vbroadcast v3, $0x1;
	v55 =	vld [tilespmem:s12+$0xF0];
	v18 =	vmul.f32 v32, v37;
	[tilespmem:s12+$0x60] =	vst v10  }
0x11d: {  	v49 =	vld [tilespmem:s12+$0xFFFFFF70];
	v56 =	vbroadcast v3, $0xA;
	v53 =	vmul.f32 v34, v45;
	[tilespmem:s12+$0xA0] =	vst v39  }
0x11e: {  	v46 =	vld [tilespmem:s12+$0x30];
	v13 =	vmul.f32 v36, v52;
	[tilespmem:s12+$0x70] =	vst v18  }
0x11f: {  	v50 =	vld [tilespmem:s12+$0xFFFFFF80];
	v58 =	vmul.f32 v40, v56;
	[tilespmem:s12+$0xFFFFFFB0] =	vst v53  }
0x120: {  	v44 =	vld [tilespmem:s12+$0x20];
	v8 =	vmul.f32 v38, v47;
	[tilespmem:s12+$0xFFFFFF20] =	vst v13  }
0x121: {  	v57 =	vld [tilespmem:s12+$0xFFFFFF30];
	v60 =	vbroadcast v3, $0x9;
	v1 =	vmul.f32 v55, v5;
	[tilespmem:s12+$0x40] =	vst v58  }
0x122: {  	v42 =	vld [tilespmem:s12+$0x50];
	v61 =	vmul.f32 v49, v54;
	[tilespmem:s12+$0xFFFFFFE0] =	vst v8  }
0x123: {  	v48 =	vld [tilespmem:s12+$0x0];
	v2 =	vmul.f32 v46, v60;
	[tilespmem:s12+$0xF0] =	vst v1  }
0x124: {  	v51 =	vld [tilespmem:s12+$0x10];
	v62 =	vmul.f32 v50, v59;
	[tilespmem:s12+$0xFFFFFF70] =	vst v61  }
0x125: {  	v1 =	vmul.f32 v44, v60;
	[tilespmem:s12+$0x30] =	vst v2  }
0x126: {  	v3 =	vbroadcast v3, $0x8;
	v63 =	vmul.f32 v57, v52;
	[tilespmem:s12+$0xFFFFFF80] =	vst v62  }
0x127: {  	[tilespmem:s12+$0x20] =	vst v1;
	v1 =	vmul.f32 v42, v56  }
0x128: {  	v2 =	vmul.f32 v48, v3;
	[tilespmem:s12+$0xFFFFFF30] =	vst v63  }
0x129: {  	[tilespmem:s12+$0x50] =	vst v1;
	v1 =	vmul.f32 v51, v3  }
0x12a: {  	[tilespmem:s12+$0x0] =	vst v2  }
0x12b: {  	[tilespmem:s12+$0x10] =	vst v1  }
0x12c: {  	[spmem:s3] =	stream.indirect.scatter.add.f32 [tilespmem:s24], [sflag:$0x5], $0x20, s2, s20, $0xb8;
	[tilespmem:$0x1CD00] =	vst v63  }
0x12d: {  	_ = 	snop  }
0x12e: {  	[spmem:s3] =	stream.indirect.scatter.add.f32 [tilespmem:s28], [sflag:$0x5], $0x20, s6, s20, $0xb8;
	[tilespmem:$0x1CD00] =	vst v63  }
0x12f: {  	_ =	swait.ge [sflag:s1], $0x1000  }
.Ltmp6:
0x130: {  	[sflag:s1] =	ssyncset.done $0x0;
	(pc) =	sbr.rel @p0 .LBB2_12-.Ltmp6, $4  }
0x131: {  	[sflag:s1] =	ssyncadd.s32 $0xFFFFF000  }
0x132: {  	_ =	swait.ge [sflag:s1], $0x1000  }
0x133: {  	[sflag:s1] =	ssyncset.done $0x0  }
0x134: {  	[sflag:s1] =	ssyncadd.s32 $0xFFFFF000  }
0x135: {  	s9 =	sadd.s32 s9, s11  }
0x136: {  	s12 =	sshll.u32 s9, $0x6  }
.Ltmp7:
0x137: {  	s9 =	sshll.u32 s9, $0x5;
	s12 =	sand.u32 $0x1FFFFFC0, s12;
	(pc) =	sbr.rel .LBB2_6-.Ltmp7, $4  }
0x138: {  	s9 =	sand.u32 $0x1FFFFFE0, s9;
	s12 =	sadd.s32 s0, s12  }
0x139: {  	[tilespmem:s17], [sflag:$0x2] =	stream.linear.gather [hbm4b:s12+s4], $0x200, $0x38;
	[tilespmem:$0x1CD00] =	vst v63  }
0x13a: {  	s8 =	sadd.s32 $0x1, s8;
	s9 =	sadd.s32 s5, s9  }
0x13b: {  	[tilespmem:s18], [sflag:$0x2] =	stream.linear.gather [hbm4b:s9+s4], $0x100, $0x38;
	[tilespmem:$0x1CD00] =	vst v63  }
.LBB2_13:
0x13c: {  	_ =	sfence.sel $0x180000  }
0x13d: {  	[bflag:$0x0] =	sbarrier.arrive $0xFFFF  }
0x13e: {  	_ =	strace $0x90000047  }
0x13f: {  	s0 =	stileid.u32;
	[bflag:$0x2] =	sbarrier.arrive $0xFFFF  }
0x140: {  	p0 =	sne.s32 s0, $0x0;
	s0 =	rddreg [dreg:$0x4]  }
0x141: {  	s0 =	sadd.s32 @!p0 $0x100000, s0  }
0x142: {  	[sflag:s0] =	ssyncadd.tile.s32 @!p0 $0x1;
	_ =	shalt  }
.Lfunc_end2:
_tile_overlayer_lowered:
.L_overlay_start_2:
0x143: {  	(tag) =	ssettag $0x2  }
0x144: {  	s0 =	rddreg [dreg:$0x0];
	s2 =	stileid.u32  }
0x145: {  	s1 =	rddreg [dreg:$0x1];
	p0 =	sne.s32 s2, $0x0  }
0x146: {  	s3 =	rddreg [dreg:$0x2];
	[bflag:$0x3] =	sbarrier.arrive $0xFFFF;
	s2 =	simm.s32 @!p0 $0x1C06  }
0x147: {  	[timem:s3], [sflag:s2] =	dma.local @!p0 [hbm:s0], s1  }
0x148: {  	s0 =	simm.s32 @!p0 $0x6  }
0x149: {  	_ =	swait.ge @!p0 [sflag:s0], s1  }
0x14a: {  	s1 =	ssub.s32 @!p0 $0x0, s1;
	[sflag:s0] =	ssyncset.done @!p0 $0x0  }
0x14b: {  	[sflag:s0] =	ssyncadd.s32 @!p0 s1  }
0x14c: {  	[bflag:$0x3] =	sbarrier.arrive $0xFFFF  }
0x14d: {  	_ =	shalt  }

</sc_bundles>
